<compile_context>
chip_gen: v7x
topology: tpu7x:2x2x1
jax: 0.10.2.dev20260603
libtpu: 0.0.44.dev20260713+nightly
codegen_flags: <defaults>
</compile_context>

<pallas_src>
import functools

import jax
import jax.numpy as jnp
from jax import lax
from jax.experimental import pallas as pl
from jax.experimental.pallas import tpu as pltpu
from jax.experimental.pallas import tpu_sc as plsc

BATCH = 16384
DIM = 32
LANES = 16
NUM_CORES = 2
NUM_SUBCORES = 16
NUM_WORKERS = NUM_CORES * NUM_SUBCORES
BPW = BATCH // NUM_WORKERS
CHUNKS = BPW // LANES
NUM_USERS = 1000000
NUM_MOVIES = 100000
NUM_GENRES = 32
NUM_YEARS = 120
EPS2 = 1e-16


def _rsqrt(x):
    x = jnp.maximum(x, EPS2)
    i = plsc.bitcast(x, jnp.int32)
    y = plsc.bitcast(jnp.int32(0x5F3759DF) - (i >> 1), jnp.float32)
    xh = x * 0.5
    for _ in range(3):
        y = y * (1.5 - xh * y * y)
    return y


def _body(uidx_hbm, midx_hbm, gidx_hbm, yidx_hbm,
          uemb_hbm, memb_hbm, ubias_hbm, mbias_hbm, gemb_hbm, yemb_hbm,
          out_hbm,
          uidx_v, midx_v, gidx_v, yidx_v,
          urows_v, mrows_v, ubv_v, mbv_v, gtab_v, ytab_v, out_v, sem):
    wid = lax.axis_index("s") * NUM_CORES + lax.axis_index("c")
    base = wid * BPW

    pltpu.sync_copy(uidx_hbm.at[pl.ds(base, BPW)], uidx_v)
    pltpu.sync_copy(midx_hbm.at[pl.ds(base, BPW)], midx_v)
    pltpu.sync_copy(gidx_hbm.at[pl.ds(base, BPW)], gidx_v)
    pltpu.sync_copy(yidx_hbm.at[pl.ds(base, BPW)], yidx_v)

    copies = [
        pltpu.async_copy(uemb_hbm.at[uidx_v], urows_v, sem),
        pltpu.async_copy(memb_hbm.at[midx_v], mrows_v, sem),
        pltpu.async_copy(ubias_hbm.at[uidx_v], ubv_v, sem),
        pltpu.async_copy(mbias_hbm.at[midx_v], mbv_v, sem),
        pltpu.async_copy(gemb_hbm, gtab_v, sem),
        pltpu.async_copy(yemb_hbm, ytab_v, sem),
    ]
    for cp in copies:
        cp.wait()

    def chunk(c, carry):
        off = c * LANES
        e16 = jnp.full((LANES,), off, jnp.int32) + lax.iota(jnp.int32, LANES)
        gbase = gidx_v[pl.ds(off, LANES)] << 5
        ybase = yidx_v[pl.ds(off, LANES)] << 5
        zero = jnp.zeros((LANES,), jnp.float32)
        uu = zero; mm = zero; um = zero
        gg = zero; ug = zero
        yy = zero; uy = zero
        for d in range(DIM):
            dd = jnp.full((LANES,), d, jnp.int32)
            u = plsc.load_gather(urows_v, [e16, dd])
            m = plsc.load_gather(mrows_v, [e16, dd])
            g = plsc.load_gather(gtab_v, [gbase + d])
            y = plsc.load_gather(ytab_v, [ybase + d])
            uu = uu + u * u
            mm = mm + m * m
            um = um + u * m
            gg = gg + g * g
            ug = ug + u * g
            yy = yy + y * y
            uy = uy + u * y
        ru = _rsqrt(uu)
        cos_um = um * ru * _rsqrt(mm)
        cos_ug = ug * ru * _rsqrt(gg)
        cos_uy = uy * ru * _rsqrt(yy)
        ub = ubv_v[pl.ds(off, LANES)]
        mb = mbv_v[pl.ds(off, LANES)]
        out_v[pl.ds(off, LANES)] = cos_um * 2.5 + 2.75 + ub + mb + cos_ug + cos_uy
        return carry

    lax.fori_loop(0, CHUNKS, chunk, 0)
    pltpu.sync_copy(out_v, out_hbm.at[pl.ds(base, BPW)])


@jax.jit
def kernel(user_idx, movie_idx, genre_idx, year_idx,
           user_embeds, movie_embeds, user_biases, movie_biases,
           genre_embeds, year_embeds):
    mesh = plsc.VectorSubcoreMesh(core_axis_name="c", subcore_axis_name="s")
    run = functools.partial(
        pl.kernel,
        out_type=jax.ShapeDtypeStruct((BATCH,), jnp.float32),
        mesh=mesh,
        scratch_types=[
            pltpu.VMEM((BPW,), jnp.int32),
            pltpu.VMEM((BPW,), jnp.int32),
            pltpu.VMEM((BPW,), jnp.int32),
            pltpu.VMEM((BPW,), jnp.int32),
            pltpu.VMEM((BPW, DIM), jnp.float32),
            pltpu.VMEM((BPW, DIM), jnp.float32),
            pltpu.VMEM((BPW,), jnp.float32),
            pltpu.VMEM((BPW,), jnp.float32),
            pltpu.VMEM((NUM_GENRES * DIM,), jnp.float32),
            pltpu.VMEM((NUM_YEARS * DIM,), jnp.float32),
            pltpu.VMEM((BPW,), jnp.float32),
            pltpu.SemaphoreType.DMA,
        ],
        compiler_params=pltpu.CompilerParams(
            needs_layout_passes=False, use_tc_tiling_on_sc=False),
    )(_body)
    return run(user_idx.astype(jnp.int32), movie_idx.astype(jnp.int32),
               genre_idx.astype(jnp.int32), year_idx.astype(jnp.int32),
               user_embeds, movie_embeds,
               user_biases.reshape(-1), movie_biases.reshape(-1),
               genre_embeds.reshape(-1), year_embeds.reshape(-1))

# --- scband reference (transcript-rebuilt; emitter-appended) ---
"""Pipeline reference for scband-mfside-features-bias-38620345925794 (READ-ONLY COPY).

The authoritative reference and input builder live on the scoring server;
editing this copy changes nothing except your own understanding.
"""

import jax, jax.numpy as jnp
import numpy as np

NUM_USERS = 1000000
NUM_MOVIES = 100000
NUM_GENRES = 32
NUM_YEARS = 120
EMBED_DIM = 32
BATCH = 16384


def _cosine_similarity(a, b, eps=1e-8):
    # Faithful to torch.nn.functional.cosine_similarity along dim=1:
    # denom = max(||a||, eps) * max(||b||, eps)
    na = jnp.maximum(jnp.linalg.norm(a, axis=1), eps)
    nb = jnp.maximum(jnp.linalg.norm(b, axis=1), eps)
    return jnp.sum(a * b, axis=1) / (na * nb)


def setup_inputs(seed: int = 0) -> dict:
    key = jax.random.key(seed)
    ks = jax.random.split(key, 10)
    user_idx = jax.random.randint(ks[0], (BATCH,), 0, NUM_USERS, dtype=jnp.int64 if jax.config.jax_enable_x64 else jnp.int32)
    movie_idx = jax.random.randint(ks[1], (BATCH,), 0, NUM_MOVIES)
    genre_idx = jax.random.randint(ks[2], (BATCH,), 0, NUM_GENRES)
    year_idx = jax.random.randint(ks[3], (BATCH,), 0, NUM_YEARS)
    user_embeds = jax.random.normal(ks[4], (NUM_USERS, EMBED_DIM), dtype=jnp.float32)
    movie_embeds = jax.random.normal(ks[5], (NUM_MOVIES, EMBED_DIM), dtype=jnp.float32)
    user_biases = jax.random.normal(ks[6], (NUM_USERS, 1), dtype=jnp.float32)
    movie_biases = jax.random.normal(ks[7], (NUM_MOVIES, 1), dtype=jnp.float32)
    genre_embeds = jax.random.normal(ks[8], (NUM_GENRES, EMBED_DIM), dtype=jnp.float32)
    year_embeds = jax.random.normal(ks[9], (NUM_YEARS, EMBED_DIM), dtype=jnp.float32)
    return {
        "user_idx": user_idx,
        "movie_idx": movie_idx,
        "genre_idx": genre_idx,
        "year_idx": year_idx,
        "user_embeds": user_embeds,
        "movie_embeds": movie_embeds,
        "user_biases": user_biases,
        "movie_biases": movie_biases,
        "genre_embeds": genre_embeds,
        "year_embeds": year_embeds,
    }


def reference(user_idx, movie_idx, genre_idx, year_idx,
              user_embeds, movie_embeds, user_biases, movie_biases,
              genre_embeds, year_embeds):
    user = jnp.take(user_embeds, user_idx, axis=0)
    movie = jnp.take(movie_embeds, movie_idx, axis=0)
    similarity = _cosine_similarity(user, movie)
    similarity = similarity * 2.5 + 2.75
    movie_bias = jnp.take(movie_biases, movie_idx, axis=0).squeeze()
    user_bias = jnp.take(user_biases, user_idx, axis=0).squeeze()
    genre = jnp.take(genre_embeds, genre_idx, axis=0)
    year = jnp.take(year_embeds, year_idx, axis=0)
    prediction = (similarity + user_bias + movie_bias
                  + _cosine_similarity(user, genre)
                  + _cosine_similarity(user, year))
    return prediction

if __name__ == "__main__":
    import jax
    _d = setup_inputs()
    print(jax.jit(kernel)(*tuple(_d.values())))

</pallas_src>

<mosaic_0001>
#map = affine_map<(d0, d1) -> (0)>
#map1 = affine_map<(d0, d1) -> (0, 0)>
module attributes {stable_mosaic.version = 14 : i64} {
  func.func @_body(%arg0: i32, %arg1: i32, %arg2: memref<16384xi32, #tpu.memory_space<hbm>>, %arg3: memref<16384xi32, #tpu.memory_space<hbm>>, %arg4: memref<16384xi32, #tpu.memory_space<hbm>>, %arg5: memref<16384xi32, #tpu.memory_space<hbm>>, %arg6: memref<1000000x32xf32, #tpu.memory_space<hbm>>, %arg7: memref<100000x32xf32, #tpu.memory_space<hbm>>, %arg8: memref<1000000xf32, #tpu.memory_space<hbm>>, %arg9: memref<100000xf32, #tpu.memory_space<hbm>>, %arg10: memref<1024xf32, #tpu.memory_space<hbm>>, %arg11: memref<3840xf32, #tpu.memory_space<hbm>>, %arg12: memref<16384xf32, #tpu.memory_space<hbm>>, %arg13: memref<512xi32, #tpu.memory_space<vmem>>, %arg14: memref<512xi32, #tpu.memory_space<vmem>>, %arg15: memref<512xi32, #tpu.memory_space<vmem>>, %arg16: memref<512xi32, #tpu.memory_space<vmem>>, %arg17: memref<512x32xf32, #tpu.memory_space<vmem>>, %arg18: memref<512x32xf32, #tpu.memory_space<vmem>>, %arg19: memref<512xf32, #tpu.memory_space<vmem>>, %arg20: memref<512xf32, #tpu.memory_space<vmem>>, %arg21: memref<1024xf32, #tpu.memory_space<vmem>>, %arg22: memref<3840xf32, #tpu.memory_space<vmem>>, %arg23: memref<512xf32, #tpu.memory_space<vmem>>, %arg24: memref<!tpu.dma_semaphore, #tpu.memory_space<semaphore_mem>>) attributes {dimension_semantics = [#tpu.dimension_semantics<core_parallel>, #tpu.dimension_semantics<subcore_parallel>], iteration_bounds = array<i64: 2, 16>, scalar_prefetch = 0 : i64, scratch_operands = 12 : i64, tpu.core_type = #tpu.core_type<sc_vector_subcore>, window_params = [{transform_indices = #map}, {transform_indices = #map}, {transform_indices = #map}, {transform_indices = #map}, {transform_indices = #map1}, {transform_indices = #map1}, {transform_indices = #map}, {transform_indices = #map}, {transform_indices = #map}, {transform_indices = #map}, {transform_indices = #map}]} {
    %mul3A = arith.constant 2 : i32
    %mul3A_0 = arith.muli %arg1, %mul3A : i32
    %add3A = arith.addi %mul3A_0, %arg0 : i32
    %mul3A_1 = arith.constant 512 : i32
    %mul3A_2 = arith.muli %add3A, %mul3A_1 : i32
    "tpu.region"() ({
      %run_scoped3A = tpu.sem_alloc : memref<!tpu.dma_semaphore, #tpu.memory_space<semaphore_mem>>
      %dma_start3A_26 = tpu.memref_slice %arg2[%mul3A_2] : memref<16384xi32, #tpu.memory_space<hbm>> -> memref<512xi32, #tpu.memory_space<hbm>>
      %dma_start3A_27 = tpu.memref_slice %arg2[%mul3A_2] : memref<16384xi32, #tpu.memory_space<hbm>> -> memref<512xi32, #tpu.memory_space<hbm>>
      tpu.enqueue_dma source(%dma_start3A_27 : memref<512xi32, #tpu.memory_space<hbm>>) target(%arg13 : memref<512xi32, #tpu.memory_space<vmem>>) target_semaphore(%run_scoped3A : memref<!tpu.dma_semaphore, #tpu.memory_space<semaphore_mem>>)
      %dma_wait3A_28 = tpu.memref_slice %arg2[%mul3A_2] : memref<16384xi32, #tpu.memory_space<hbm>> -> memref<512xi32, #tpu.memory_space<hbm>>
      %dma_wait3A_29 = tpu.memref_slice %arg2[%mul3A_2] : memref<16384xi32, #tpu.memory_space<hbm>> -> memref<512xi32, #tpu.memory_space<hbm>>
      tpu.wait_dma2 semaphore(%run_scoped3A : memref<!tpu.dma_semaphore, #tpu.memory_space<semaphore_mem>>) src(%dma_wait3A_29 : memref<512xi32, #tpu.memory_space<hbm>>) dst(%arg13 : memref<512xi32, #tpu.memory_space<vmem>>)
      tpu.yield
    }) : () -> ()
    "tpu.region"() ({
      %run_scoped3A = tpu.sem_alloc : memref<!tpu.dma_semaphore, #tpu.memory_space<semaphore_mem>>
      %dma_start3A_26 = tpu.memref_slice %arg3[%mul3A_2] : memref<16384xi32, #tpu.memory_space<hbm>> -> memref<512xi32, #tpu.memory_space<hbm>>
      %dma_start3A_27 = tpu.memref_slice %arg3[%mul3A_2] : memref<16384xi32, #tpu.memory_space<hbm>> -> memref<512xi32, #tpu.memory_space<hbm>>
      tpu.enqueue_dma source(%dma_start3A_27 : memref<512xi32, #tpu.memory_space<hbm>>) target(%arg14 : memref<512xi32, #tpu.memory_space<vmem>>) target_semaphore(%run_scoped3A : memref<!tpu.dma_semaphore, #tpu.memory_space<semaphore_mem>>)
      %dma_wait3A_28 = tpu.memref_slice %arg3[%mul3A_2] : memref<16384xi32, #tpu.memory_space<hbm>> -> memref<512xi32, #tpu.memory_space<hbm>>
      %dma_wait3A_29 = tpu.memref_slice %arg3[%mul3A_2] : memref<16384xi32, #tpu.memory_space<hbm>> -> memref<512xi32, #tpu.memory_space<hbm>>
      tpu.wait_dma2 semaphore(%run_scoped3A : memref<!tpu.dma_semaphore, #tpu.memory_space<semaphore_mem>>) src(%dma_wait3A_29 : memref<512xi32, #tpu.memory_space<hbm>>) dst(%arg14 : memref<512xi32, #tpu.memory_space<vmem>>)
      tpu.yield
    }) : () -> ()
    "tpu.region"() ({
      %run_scoped3A = tpu.sem_alloc : memref<!tpu.dma_semaphore, #tpu.memory_space<semaphore_mem>>
      %dma_start3A_26 = tpu.memref_slice %arg4[%mul3A_2] : memref<16384xi32, #tpu.memory_space<hbm>> -> memref<512xi32, #tpu.memory_space<hbm>>
      %dma_start3A_27 = tpu.memref_slice %arg4[%mul3A_2] : memref<16384xi32, #tpu.memory_space<hbm>> -> memref<512xi32, #tpu.memory_space<hbm>>
      tpu.enqueue_dma source(%dma_start3A_27 : memref<512xi32, #tpu.memory_space<hbm>>) target(%arg15 : memref<512xi32, #tpu.memory_space<vmem>>) target_semaphore(%run_scoped3A : memref<!tpu.dma_semaphore, #tpu.memory_space<semaphore_mem>>)
      %dma_wait3A_28 = tpu.memref_slice %arg4[%mul3A_2] : memref<16384xi32, #tpu.memory_space<hbm>> -> memref<512xi32, #tpu.memory_space<hbm>>
      %dma_wait3A_29 = tpu.memref_slice %arg4[%mul3A_2] : memref<16384xi32, #tpu.memory_space<hbm>> -> memref<512xi32, #tpu.memory_space<hbm>>
      tpu.wait_dma2 semaphore(%run_scoped3A : memref<!tpu.dma_semaphore, #tpu.memory_space<semaphore_mem>>) src(%dma_wait3A_29 : memref<512xi32, #tpu.memory_space<hbm>>) dst(%arg15 : memref<512xi32, #tpu.memory_space<vmem>>)
      tpu.yield
    }) : () -> ()
    "tpu.region"() ({
      %run_scoped3A = tpu.sem_alloc : memref<!tpu.dma_semaphore, #tpu.memory_space<semaphore_mem>>
      %dma_start3A_26 = tpu.memref_slice %arg5[%mul3A_2] : memref<16384xi32, #tpu.memory_space<hbm>> -> memref<512xi32, #tpu.memory_space<hbm>>
      %dma_start3A_27 = tpu.memref_slice %arg5[%mul3A_2] : memref<16384xi32, #tpu.memory_space<hbm>> -> memref<512xi32, #tpu.memory_space<hbm>>
      tpu.enqueue_dma source(%dma_start3A_27 : memref<512xi32, #tpu.memory_space<hbm>>) target(%arg16 : memref<512xi32, #tpu.memory_space<vmem>>) target_semaphore(%run_scoped3A : memref<!tpu.dma_semaphore, #tpu.memory_space<semaphore_mem>>)
      %dma_wait3A_28 = tpu.memref_slice %arg5[%mul3A_2] : memref<16384xi32, #tpu.memory_space<hbm>> -> memref<512xi32, #tpu.memory_space<hbm>>
      %dma_wait3A_29 = tpu.memref_slice %arg5[%mul3A_2] : memref<16384xi32, #tpu.memory_space<hbm>> -> memref<512xi32, #tpu.memory_space<hbm>>
      tpu.wait_dma2 semaphore(%run_scoped3A : memref<!tpu.dma_semaphore, #tpu.memory_space<semaphore_mem>>) src(%dma_wait3A_29 : memref<512xi32, #tpu.memory_space<hbm>>) dst(%arg16 : memref<512xi32, #tpu.memory_space<vmem>>)
      tpu.yield
    }) : () -> ()
    %dma_start3A = arith.constant 0 : i32
    %dma_start3A_3 = arith.constant 0 : i32
    %dma_start3A_4 = tpu.memref_slice %arg6[%dma_start3A, %dma_start3A_3] : memref<1000000x32xf32, #tpu.memory_space<hbm>> -> memref<1000000x32xf32, #tpu.memory_space<hbm>>
    tpu.enqueue_indirect_dma source(%dma_start3A_4 : memref<1000000x32xf32, #tpu.memory_space<hbm>>) target(%arg17 : memref<512x32xf32, #tpu.memory_space<vmem>>) offsets(%arg13 : memref<512xi32, #tpu.memory_space<vmem>>) semaphore(%arg24 : memref<!tpu.dma_semaphore, #tpu.memory_space<semaphore_mem>>)
    %dma_start3A_5 = arith.constant 0 : i32
    %dma_start3A_6 = arith.constant 0 : i32
    %dma_start3A_7 = tpu.memref_slice %arg7[%dma_start3A_5, %dma_start3A_6] : memref<100000x32xf32, #tpu.memory_space<hbm>> -> memref<100000x32xf32, #tpu.memory_space<hbm>>
    tpu.enqueue_indirect_dma source(%dma_start3A_7 : memref<100000x32xf32, #tpu.memory_space<hbm>>) target(%arg18 : memref<512x32xf32, #tpu.memory_space<vmem>>) offsets(%arg14 : memref<512xi32, #tpu.memory_space<vmem>>) semaphore(%arg24 : memref<!tpu.dma_semaphore, #tpu.memory_space<semaphore_mem>>)
    %dma_start3A_8 = arith.constant 0 : i32
    %dma_start3A_9 = tpu.memref_slice %arg8[%dma_start3A_8] : memref<1000000xf32, #tpu.memory_space<hbm>> -> memref<1000000xf32, #tpu.memory_space<hbm>>
    tpu.enqueue_indirect_dma source(%dma_start3A_9 : memref<1000000xf32, #tpu.memory_space<hbm>>) target(%arg19 : memref<512xf32, #tpu.memory_space<vmem>>) offsets(%arg13 : memref<512xi32, #tpu.memory_space<vmem>>) semaphore(%arg24 : memref<!tpu.dma_semaphore, #tpu.memory_space<semaphore_mem>>)
    %dma_start3A_10 = arith.constant 0 : i32
    %dma_start3A_11 = tpu.memref_slice %arg9[%dma_start3A_10] : memref<100000xf32, #tpu.memory_space<hbm>> -> memref<100000xf32, #tpu.memory_space<hbm>>
    tpu.enqueue_indirect_dma source(%dma_start3A_11 : memref<100000xf32, #tpu.memory_space<hbm>>) target(%arg20 : memref<512xf32, #tpu.memory_space<vmem>>) offsets(%arg14 : memref<512xi32, #tpu.memory_space<vmem>>) semaphore(%arg24 : memref<!tpu.dma_semaphore, #tpu.memory_space<semaphore_mem>>)
    tpu.enqueue_dma source(%arg10 : memref<1024xf32, #tpu.memory_space<hbm>>) target(%arg21 : memref<1024xf32, #tpu.memory_space<vmem>>) target_semaphore(%arg24 : memref<!tpu.dma_semaphore, #tpu.memory_space<semaphore_mem>>)
    tpu.enqueue_dma source(%arg11 : memref<3840xf32, #tpu.memory_space<hbm>>) target(%arg22 : memref<3840xf32, #tpu.memory_space<vmem>>) target_semaphore(%arg24 : memref<!tpu.dma_semaphore, #tpu.memory_space<semaphore_mem>>)
    %dma_wait3A = arith.constant 0 : i32
    %dma_wait3A_12 = arith.constant 0 : i32
    %dma_wait3A_13 = tpu.memref_slice %arg6[%dma_wait3A, %dma_wait3A_12] : memref<1000000x32xf32, #tpu.memory_space<hbm>> -> memref<1000000x32xf32, #tpu.memory_space<hbm>>
    tpu.wait_indirect_dma semaphore(%arg24 : memref<!tpu.dma_semaphore, #tpu.memory_space<semaphore_mem>>) src(%dma_wait3A_13 : memref<1000000x32xf32, #tpu.memory_space<hbm>>) dst(%arg17 : memref<512x32xf32, #tpu.memory_space<vmem>>)
    %dma_wait3A_14 = arith.constant 0 : i32
    %dma_wait3A_15 = arith.constant 0 : i32
    %dma_wait3A_16 = tpu.memref_slice %arg7[%dma_wait3A_14, %dma_wait3A_15] : memref<100000x32xf32, #tpu.memory_space<hbm>> -> memref<100000x32xf32, #tpu.memory_space<hbm>>
    tpu.wait_indirect_dma semaphore(%arg24 : memref<!tpu.dma_semaphore, #tpu.memory_space<semaphore_mem>>) src(%dma_wait3A_16 : memref<100000x32xf32, #tpu.memory_space<hbm>>) dst(%arg18 : memref<512x32xf32, #tpu.memory_space<vmem>>)
    %dma_wait3A_17 = arith.constant 0 : i32
    %dma_wait3A_18 = tpu.memref_slice %arg8[%dma_wait3A_17] : memref<1000000xf32, #tpu.memory_space<hbm>> -> memref<1000000xf32, #tpu.memory_space<hbm>>
    tpu.wait_indirect_dma semaphore(%arg24 : memref<!tpu.dma_semaphore, #tpu.memory_space<semaphore_mem>>) src(%dma_wait3A_18 : memref<1000000xf32, #tpu.memory_space<hbm>>) dst(%arg19 : memref<512xf32, #tpu.memory_space<vmem>>)
    %dma_wait3A_19 = arith.constant 0 : i32
    %dma_wait3A_20 = tpu.memref_slice %arg9[%dma_wait3A_19] : memref<100000xf32, #tpu.memory_space<hbm>> -> memref<100000xf32, #tpu.memory_space<hbm>>
    tpu.wait_indirect_dma semaphore(%arg24 : memref<!tpu.dma_semaphore, #tpu.memory_space<semaphore_mem>>) src(%dma_wait3A_20 : memref<100000xf32, #tpu.memory_space<hbm>>) dst(%arg20 : memref<512xf32, #tpu.memory_space<vmem>>)
    tpu.wait_dma2 semaphore(%arg24 : memref<!tpu.dma_semaphore, #tpu.memory_space<semaphore_mem>>) src(%arg10 : memref<1024xf32, #tpu.memory_space<hbm>>) dst(%arg21 : memref<1024xf32, #tpu.memory_space<vmem>>)
    tpu.wait_dma2 semaphore(%arg24 : memref<!tpu.dma_semaphore, #tpu.memory_space<semaphore_mem>>) src(%arg11 : memref<3840xf32, #tpu.memory_space<hbm>>) dst(%arg22 : memref<3840xf32, #tpu.memory_space<vmem>>)
    %scan3A = arith.constant 0 : i32
    %scan3A_21 = arith.constant 0 : i32
    %scan3A_22 = arith.constant 32 : i32
    %scan3A_23 = arith.addi %scan3A_21, %scan3A_22 : i32
    %scan3A_24 = arith.constant 1 : i32
    scf.for %scan3A_26 = %scan3A_21 to %scan3A_23 step %scan3A_24  : i32 {
      %mul3A_27 = arith.constant 16 : i32
      %mul3A_28 = arith.muli %scan3A_26, %mul3A_27 : i32
      %broadcast_in_dim3A = vector.broadcast %mul3A_28 : i32 to vector<16xi32>
      %iota3A = tpu.iota {dimensions = array<i32: 0>} : vector<16xi32>
      %add3A_29 = arith.addi %broadcast_in_dim3A, %iota3A : vector<16xi32>
      %get3A = arith.index_cast %mul3A_28 : i32 to index
      %get3A_30 = tpu.vector_load %arg15[%get3A] {strides = array<i32>} : memref<512xi32, #tpu.memory_space<vmem>>, vector<16xi32>,
      %shift_left3A = arith.constant 5 : i32
      %shift_left3A_31 = vector.broadcast %shift_left3A : i32 to vector<16xi32>
      %shift_left3A_32 = arith.shli %get3A_30, %shift_left3A_31 : vector<16xi32>
      %get3A_33 = arith.index_cast %mul3A_28 : i32 to index
      %get3A_34 = tpu.vector_load %arg16[%get3A_33] {strides = array<i32>} : memref<512xi32, #tpu.memory_space<vmem>>, vector<16xi32>,
      %shift_left3A_35 = arith.constant 5 : i32
      %shift_left3A_36 = vector.broadcast %shift_left3A_35 : i32 to vector<16xi32>
      %shift_left3A_37 = arith.shli %get3A_34, %shift_left3A_36 : vector<16xi32>
      %broadcast_in_dim3A_38 = arith.constant 0.000000e+00 : f32
      %broadcast_in_dim3A_39 = vector.broadcast %broadcast_in_dim3A_38 : f32 to vector<16xf32>
      %broadcast_in_dim3A_40 = arith.constant 0 : i32
      %broadcast_in_dim3A_41 = vector.broadcast %broadcast_in_dim3A_40 : i32 to vector<16xi32>
      %gather3A = tpu.vector_load_idx %arg17[%add3A_29, %broadcast_in_dim3A_41] : memref<512x32xf32, #tpu.memory_space<vmem>>[vector<16xi32>, vector<16xi32>], vector<16xf32>,
      %gather3A_42 = tpu.vector_load_idx %arg18[%add3A_29, %broadcast_in_dim3A_41] : memref<512x32xf32, #tpu.memory_space<vmem>>[vector<16xi32>, vector<16xi32>], vector<16xf32>,
      %add3A_43 = arith.constant 0 : i32
      %add3A_44 = vector.broadcast %add3A_43 : i32 to vector<16xi32>
      %add3A_45 = arith.addi %shift_left3A_32, %add3A_44 : vector<16xi32>
      %gather3A_46 = tpu.vector_load_idx %arg21[%add3A_45] : memref<1024xf32, #tpu.memory_space<vmem>>[vector<16xi32>], vector<16xf32>,
      %add3A_47 = arith.constant 0 : i32
      %add3A_48 = vector.broadcast %add3A_47 : i32 to vector<16xi32>
      %add3A_49 = arith.addi %shift_left3A_37, %add3A_48 : vector<16xi32>
      %gather3A_50 = tpu.vector_load_idx %arg22[%add3A_49] : memref<3840xf32, #tpu.memory_space<vmem>>[vector<16xi32>], vector<16xf32>,
      %mul3A_51 = arith.mulf %gather3A, %gather3A : vector<16xf32>
      %add3A_52 = arith.addf %broadcast_in_dim3A_39, %mul3A_51 : vector<16xf32>
      %mul3A_53 = arith.mulf %gather3A_42, %gather3A_42 : vector<16xf32>
      %add3A_54 = arith.addf %broadcast_in_dim3A_39, %mul3A_53 : vector<16xf32>
      %mul3A_55 = arith.mulf %gather3A, %gather3A_42 : vector<16xf32>
      %add3A_56 = arith.addf %broadcast_in_dim3A_39, %mul3A_55 : vector<16xf32>
      %mul3A_57 = arith.mulf %gather3A_46, %gather3A_46 : vector<16xf32>
      %add3A_58 = arith.addf %broadcast_in_dim3A_39, %mul3A_57 : vector<16xf32>
      %mul3A_59 = arith.mulf %gather3A, %gather3A_46 : vector<16xf32>
      %add3A_60 = arith.addf %broadcast_in_dim3A_39, %mul3A_59 : vector<16xf32>
      %mul3A_61 = arith.mulf %gather3A_50, %gather3A_50 : vector<16xf32>
      %add3A_62 = arith.addf %broadcast_in_dim3A_39, %mul3A_61 : vector<16xf32>
      %mul3A_63 = arith.mulf %gather3A, %gather3A_50 : vector<16xf32>
      %add3A_64 = arith.addf %broadcast_in_dim3A_39, %mul3A_63 : vector<16xf32>
      %broadcast_in_dim3A_65 = arith.constant 1 : i32
      %broadcast_in_dim3A_66 = vector.broadcast %broadcast_in_dim3A_65 : i32 to vector<16xi32>
      %gather3A_67 = tpu.vector_load_idx %arg17[%add3A_29, %broadcast_in_dim3A_66] : memref<512x32xf32, #tpu.memory_space<vmem>>[vector<16xi32>, vector<16xi32>], vector<16xf32>,
      %gather3A_68 = tpu.vector_load_idx %arg18[%add3A_29, %broadcast_in_dim3A_66] : memref<512x32xf32, #tpu.memory_space<vmem>>[vector<16xi32>, vector<16xi32>], vector<16xf32>,
      %add3A_69 = arith.constant 1 : i32
      %add3A_70 = vector.broadcast %add3A_69 : i32 to vector<16xi32>
      %add3A_71 = arith.addi %shift_left3A_32, %add3A_70 : vector<16xi32>
      %gather3A_72 = tpu.vector_load_idx %arg21[%add3A_71] : memref<1024xf32, #tpu.memory_space<vmem>>[vector<16xi32>], vector<16xf32>,
      %add3A_73 = arith.constant 1 : i32
      %add3A_74 = vector.broadcast %add3A_73 : i32 to vector<16xi32>
      %add3A_75 = arith.addi %shift_left3A_37, %add3A_74 : vector<16xi32>
      %gather3A_76 = tpu.vector_load_idx %arg22[%add3A_75] : memref<3840xf32, #tpu.memory_space<vmem>>[vector<16xi32>], vector<16xf32>,
      %mul3A_77 = arith.mulf %gather3A_67, %gather3A_67 : vector<16xf32>
      %add3A_78 = arith.addf %add3A_52, %mul3A_77 : vector<16xf32>
      %mul3A_79 = arith.mulf %gather3A_68, %gather3A_68 : vector<16xf32>
      %add3A_80 = arith.addf %add3A_54, %mul3A_79 : vector<16xf32>
      %mul3A_81 = arith.mulf %gather3A_67, %gather3A_68 : vector<16xf32>
      %add3A_82 = arith.addf %add3A_56, %mul3A_81 : vector<16xf32>
      %mul3A_83 = arith.mulf %gather3A_72, %gather3A_72 : vector<16xf32>
      %add3A_84 = arith.addf %add3A_58, %mul3A_83 : vector<16xf32>
      %mul3A_85 = arith.mulf %gather3A_67, %gather3A_72 : vector<16xf32>
      %add3A_86 = arith.addf %add3A_60, %mul3A_85 : vector<16xf32>
      %mul3A_87 = arith.mulf %gather3A_76, %gather3A_76 : vector<16xf32>
      %add3A_88 = arith.addf %add3A_62, %mul3A_87 : vector<16xf32>
      %mul3A_89 = arith.mulf %gather3A_67, %gather3A_76 : vector<16xf32>
      %add3A_90 = arith.addf %add3A_64, %mul3A_89 : vector<16xf32>
      %broadcast_in_dim3A_91 = arith.constant 2 : i32
      %broadcast_in_dim3A_92 = vector.broadcast %broadcast_in_dim3A_91 : i32 to vector<16xi32>
      %gather3A_93 = tpu.vector_load_idx %arg17[%add3A_29, %broadcast_in_dim3A_92] : memref<512x32xf32, #tpu.memory_space<vmem>>[vector<16xi32>, vector<16xi32>], vector<16xf32>,
      %gather3A_94 = tpu.vector_load_idx %arg18[%add3A_29, %broadcast_in_dim3A_92] : memref<512x32xf32, #tpu.memory_space<vmem>>[vector<16xi32>, vector<16xi32>], vector<16xf32>,
      %add3A_95 = arith.constant 2 : i32
      %add3A_96 = vector.broadcast %add3A_95 : i32 to vector<16xi32>
      %add3A_97 = arith.addi %shift_left3A_32, %add3A_96 : vector<16xi32>
      %gather3A_98 = tpu.vector_load_idx %arg21[%add3A_97] : memref<1024xf32, #tpu.memory_space<vmem>>[vector<16xi32>], vector<16xf32>,
      %add3A_99 = arith.constant 2 : i32
      %add3A_100 = vector.broadcast %add3A_99 : i32 to vector<16xi32>
      %add3A_101 = arith.addi %shift_left3A_37, %add3A_100 : vector<16xi32>
      %gather3A_102 = tpu.vector_load_idx %arg22[%add3A_101] : memref<3840xf32, #tpu.memory_space<vmem>>[vector<16xi32>], vector<16xf32>,
      %mul3A_103 = arith.mulf %gather3A_93, %gather3A_93 : vector<16xf32>
      %add3A_104 = arith.addf %add3A_78, %mul3A_103 : vector<16xf32>
      %mul3A_105 = arith.mulf %gather3A_94, %gather3A_94 : vector<16xf32>
      %add3A_106 = arith.addf %add3A_80, %mul3A_105 : vector<16xf32>
      %mul3A_107 = arith.mulf %gather3A_93, %gather3A_94 : vector<16xf32>
      %add3A_108 = arith.addf %add3A_82, %mul3A_107 : vector<16xf32>
      %mul3A_109 = arith.mulf %gather3A_98, %gather3A_98 : vector<16xf32>
      %add3A_110 = arith.addf %add3A_84, %mul3A_109 : vector<16xf32>
      %mul3A_111 = arith.mulf %gather3A_93, %gather3A_98 : vector<16xf32>
      %add3A_112 = arith.addf %add3A_86, %mul3A_111 : vector<16xf32>
      %mul3A_113 = arith.mulf %gather3A_102, %gather3A_102 : vector<16xf32>
      %add3A_114 = arith.addf %add3A_88, %mul3A_113 : vector<16xf32>
      %mul3A_115 = arith.mulf %gather3A_93, %gather3A_102 : vector<16xf32>
      %add3A_116 = arith.addf %add3A_90, %mul3A_115 : vector<16xf32>
      %broadcast_in_dim3A_117 = arith.constant 3 : i32
      %broadcast_in_dim3A_118 = vector.broadcast %broadcast_in_dim3A_117 : i32 to vector<16xi32>
      %gather3A_119 = tpu.vector_load_idx %arg17[%add3A_29, %broadcast_in_dim3A_118] : memref<512x32xf32, #tpu.memory_space<vmem>>[vector<16xi32>, vector<16xi32>], vector<16xf32>,
      %gather3A_120 = tpu.vector_load_idx %arg18[%add3A_29, %broadcast_in_dim3A_118] : memref<512x32xf32, #tpu.memory_space<vmem>>[vector<16xi32>, vector<16xi32>], vector<16xf32>,
      %add3A_121 = arith.constant 3 : i32
      %add3A_122 = vector.broadcast %add3A_121 : i32 to vector<16xi32>
      %add3A_123 = arith.addi %shift_left3A_32, %add3A_122 : vector<16xi32>
      %gather3A_124 = tpu.vector_load_idx %arg21[%add3A_123] : memref<1024xf32, #tpu.memory_space<vmem>>[vector<16xi32>], vector<16xf32>,
      %add3A_125 = arith.constant 3 : i32
      %add3A_126 = vector.broadcast %add3A_125 : i32 to vector<16xi32>
      %add3A_127 = arith.addi %shift_left3A_37, %add3A_126 : vector<16xi32>
      %gather3A_128 = tpu.vector_load_idx %arg22[%add3A_127] : memref<3840xf32, #tpu.memory_space<vmem>>[vector<16xi32>], vector<16xf32>,
      %mul3A_129 = arith.mulf %gather3A_119, %gather3A_119 : vector<16xf32>
      %add3A_130 = arith.addf %add3A_104, %mul3A_129 : vector<16xf32>
      %mul3A_131 = arith.mulf %gather3A_120, %gather3A_120 : vector<16xf32>
      %add3A_132 = arith.addf %add3A_106, %mul3A_131 : vector<16xf32>
      %mul3A_133 = arith.mulf %gather3A_119, %gather3A_120 : vector<16xf32>
      %add3A_134 = arith.addf %add3A_108, %mul3A_133 : vector<16xf32>
      %mul3A_135 = arith.mulf %gather3A_124, %gather3A_124 : vector<16xf32>
      %add3A_136 = arith.addf %add3A_110, %mul3A_135 : vector<16xf32>
      %mul3A_137 = arith.mulf %gather3A_119, %gather3A_124 : vector<16xf32>
      %add3A_138 = arith.addf %add3A_112, %mul3A_137 : vector<16xf32>
      %mul3A_139 = arith.mulf %gather3A_128, %gather3A_128 : vector<16xf32>
      %add3A_140 = arith.addf %add3A_114, %mul3A_139 : vector<16xf32>
      %mul3A_141 = arith.mulf %gather3A_119, %gather3A_128 : vector<16xf32>
      %add3A_142 = arith.addf %add3A_116, %mul3A_141 : vector<16xf32>
      %broadcast_in_dim3A_143 = arith.constant 4 : i32
      %broadcast_in_dim3A_144 = vector.broadcast %broadcast_in_dim3A_143 : i32 to vector<16xi32>
      %gather3A_145 = tpu.vector_load_idx %arg17[%add3A_29, %broadcast_in_dim3A_144] : memref<512x32xf32, #tpu.memory_space<vmem>>[vector<16xi32>, vector<16xi32>], vector<16xf32>,
      %gather3A_146 = tpu.vector_load_idx %arg18[%add3A_29, %broadcast_in_dim3A_144] : memref<512x32xf32, #tpu.memory_space<vmem>>[vector<16xi32>, vector<16xi32>], vector<16xf32>,
      %add3A_147 = arith.constant 4 : i32
      %add3A_148 = vector.broadcast %add3A_147 : i32 to vector<16xi32>
      %add3A_149 = arith.addi %shift_left3A_32, %add3A_148 : vector<16xi32>
      %gather3A_150 = tpu.vector_load_idx %arg21[%add3A_149] : memref<1024xf32, #tpu.memory_space<vmem>>[vector<16xi32>], vector<16xf32>,
      %add3A_151 = arith.constant 4 : i32
      %add3A_152 = vector.broadcast %add3A_151 : i32 to vector<16xi32>
      %add3A_153 = arith.addi %shift_left3A_37, %add3A_152 : vector<16xi32>
      %gather3A_154 = tpu.vector_load_idx %arg22[%add3A_153] : memref<3840xf32, #tpu.memory_space<vmem>>[vector<16xi32>], vector<16xf32>,
      %mul3A_155 = arith.mulf %gather3A_145, %gather3A_145 : vector<16xf32>
      %add3A_156 = arith.addf %add3A_130, %mul3A_155 : vector<16xf32>
      %mul3A_157 = arith.mulf %gather3A_146, %gather3A_146 : vector<16xf32>
      %add3A_158 = arith.addf %add3A_132, %mul3A_157 : vector<16xf32>
      %mul3A_159 = arith.mulf %gather3A_145, %gather3A_146 : vector<16xf32>
      %add3A_160 = arith.addf %add3A_134, %mul3A_159 : vector<16xf32>
      %mul3A_161 = arith.mulf %gather3A_150, %gather3A_150 : vector<16xf32>
      %add3A_162 = arith.addf %add3A_136, %mul3A_161 : vector<16xf32>
      %mul3A_163 = arith.mulf %gather3A_145, %gather3A_150 : vector<16xf32>
      %add3A_164 = arith.addf %add3A_138, %mul3A_163 : vector<16xf32>
      %mul3A_165 = arith.mulf %gather3A_154, %gather3A_154 : vector<16xf32>
      %add3A_166 = arith.addf %add3A_140, %mul3A_165 : vector<16xf32>
      %mul3A_167 = arith.mulf %gather3A_145, %gather3A_154 : vector<16xf32>
      %add3A_168 = arith.addf %add3A_142, %mul3A_167 : vector<16xf32>
      %broadcast_in_dim3A_169 = arith.constant 5 : i32
      %broadcast_in_dim3A_170 = vector.broadcast %broadcast_in_dim3A_169 : i32 to vector<16xi32>
      %gather3A_171 = tpu.vector_load_idx %arg17[%add3A_29, %broadcast_in_dim3A_170] : memref<512x32xf32, #tpu.memory_space<vmem>>[vector<16xi32>, vector<16xi32>], vector<16xf32>,
      %gather3A_172 = tpu.vector_load_idx %arg18[%add3A_29, %broadcast_in_dim3A_170] : memref<512x32xf32, #tpu.memory_space<vmem>>[vector<16xi32>, vector<16xi32>], vector<16xf32>,
      %add3A_173 = arith.constant 5 : i32
      %add3A_174 = vector.broadcast %add3A_173 : i32 to vector<16xi32>
      %add3A_175 = arith.addi %shift_left3A_32, %add3A_174 : vector<16xi32>
      %gather3A_176 = tpu.vector_load_idx %arg21[%add3A_175] : memref<1024xf32, #tpu.memory_space<vmem>>[vector<16xi32>], vector<16xf32>,
      %add3A_177 = arith.constant 5 : i32
      %add3A_178 = vector.broadcast %add3A_177 : i32 to vector<16xi32>
      %add3A_179 = arith.addi %shift_left3A_37, %add3A_178 : vector<16xi32>
      %gather3A_180 = tpu.vector_load_idx %arg22[%add3A_179] : memref<3840xf32, #tpu.memory_space<vmem>>[vector<16xi32>], vector<16xf32>,
      %mul3A_181 = arith.mulf %gather3A_171, %gather3A_171 : vector<16xf32>
      %add3A_182 = arith.addf %add3A_156, %mul3A_181 : vector<16xf32>
      %mul3A_183 = arith.mulf %gather3A_172, %gather3A_172 : vector<16xf32>
      %add3A_184 = arith.addf %add3A_158, %mul3A_183 : vector<16xf32>
      %mul3A_185 = arith.mulf %gather3A_171, %gather3A_172 : vector<16xf32>
      %add3A_186 = arith.addf %add3A_160, %mul3A_185 : vector<16xf32>
      %mul3A_187 = arith.mulf %gather3A_176, %gather3A_176 : vector<16xf32>
      %add3A_188 = arith.addf %add3A_162, %mul3A_187 : vector<16xf32>
      %mul3A_189 = arith.mulf %gather3A_171, %gather3A_176 : vector<16xf32>
      %add3A_190 = arith.addf %add3A_164, %mul3A_189 : vector<16xf32>
      %mul3A_191 = arith.mulf %gather3A_180, %gather3A_180 : vector<16xf32>
      %add3A_192 = arith.addf %add3A_166, %mul3A_191 : vector<16xf32>
      %mul3A_193 = arith.mulf %gather3A_171, %gather3A_180 : vector<16xf32>
      %add3A_194 = arith.addf %add3A_168, %mul3A_193 : vector<16xf32>
      %broadcast_in_dim3A_195 = arith.constant 6 : i32
      %broadcast_in_dim3A_196 = vector.broadcast %broadcast_in_dim3A_195 : i32 to vector<16xi32>
      %gather3A_197 = tpu.vector_load_idx %arg17[%add3A_29, %broadcast_in_dim3A_196] : memref<512x32xf32, #tpu.memory_space<vmem>>[vector<16xi32>, vector<16xi32>], vector<16xf32>,
      %gather3A_198 = tpu.vector_load_idx %arg18[%add3A_29, %broadcast_in_dim3A_196] : memref<512x32xf32, #tpu.memory_space<vmem>>[vector<16xi32>, vector<16xi32>], vector<16xf32>,
      %add3A_199 = arith.constant 6 : i32
      %add3A_200 = vector.broadcast %add3A_199 : i32 to vector<16xi32>
      %add3A_201 = arith.addi %shift_left3A_32, %add3A_200 : vector<16xi32>
      %gather3A_202 = tpu.vector_load_idx %arg21[%add3A_201] : memref<1024xf32, #tpu.memory_space<vmem>>[vector<16xi32>], vector<16xf32>,
      %add3A_203 = arith.constant 6 : i32
      %add3A_204 = vector.broadcast %add3A_203 : i32 to vector<16xi32>
      %add3A_205 = arith.addi %shift_left3A_37, %add3A_204 : vector<16xi32>
      %gather3A_206 = tpu.vector_load_idx %arg22[%add3A_205] : memref<3840xf32, #tpu.memory_space<vmem>>[vector<16xi32>], vector<16xf32>,
      %mul3A_207 = arith.mulf %gather3A_197, %gather3A_197 : vector<16xf32>
      %add3A_208 = arith.addf %add3A_182, %mul3A_207 : vector<16xf32>
      %mul3A_209 = arith.mulf %gather3A_198, %gather3A_198 : vector<16xf32>
      %add3A_210 = arith.addf %add3A_184, %mul3A_209 : vector<16xf32>
      %mul3A_211 = arith.mulf %gather3A_197, %gather3A_198 : vector<16xf32>
      %add3A_212 = arith.addf %add3A_186, %mul3A_211 : vector<16xf32>
      %mul3A_213 = arith.mulf %gather3A_202, %gather3A_202 : vector<16xf32>
      %add3A_214 = arith.addf %add3A_188, %mul3A_213 : vector<16xf32>
      %mul3A_215 = arith.mulf %gather3A_197, %gather3A_202 : vector<16xf32>
      %add3A_216 = arith.addf %add3A_190, %mul3A_215 : vector<16xf32>
      %mul3A_217 = arith.mulf %gather3A_206, %gather3A_206 : vector<16xf32>
      %add3A_218 = arith.addf %add3A_192, %mul3A_217 : vector<16xf32>
      %mul3A_219 = arith.mulf %gather3A_197, %gather3A_206 : vector<16xf32>
      %add3A_220 = arith.addf %add3A_194, %mul3A_219 : vector<16xf32>
      %broadcast_in_dim3A_221 = arith.constant 7 : i32
      %broadcast_in_dim3A_222 = vector.broadcast %broadcast_in_dim3A_221 : i32 to vector<16xi32>
      %gather3A_223 = tpu.vector_load_idx %arg17[%add3A_29, %broadcast_in_dim3A_222] : memref<512x32xf32, #tpu.memory_space<vmem>>[vector<16xi32>, vector<16xi32>], vector<16xf32>,
      %gather3A_224 = tpu.vector_load_idx %arg18[%add3A_29, %broadcast_in_dim3A_222] : memref<512x32xf32, #tpu.memory_space<vmem>>[vector<16xi32>, vector<16xi32>], vector<16xf32>,
      %add3A_225 = arith.constant 7 : i32
      %add3A_226 = vector.broadcast %add3A_225 : i32 to vector<16xi32>
      %add3A_227 = arith.addi %shift_left3A_32, %add3A_226 : vector<16xi32>
      %gather3A_228 = tpu.vector_load_idx %arg21[%add3A_227] : memref<1024xf32, #tpu.memory_space<vmem>>[vector<16xi32>], vector<16xf32>,
      %add3A_229 = arith.constant 7 : i32
      %add3A_230 = vector.broadcast %add3A_229 : i32 to vector<16xi32>
      %add3A_231 = arith.addi %shift_left3A_37, %add3A_230 : vector<16xi32>
      %gather3A_232 = tpu.vector_load_idx %arg22[%add3A_231] : memref<3840xf32, #tpu.memory_space<vmem>>[vector<16xi32>], vector<16xf32>,
      %mul3A_233 = arith.mulf %gather3A_223, %gather3A_223 : vector<16xf32>
      %add3A_234 = arith.addf %add3A_208, %mul3A_233 : vector<16xf32>
      %mul3A_235 = arith.mulf %gather3A_224, %gather3A_224 : vector<16xf32>
      %add3A_236 = arith.addf %add3A_210, %mul3A_235 : vector<16xf32>
      %mul3A_237 = arith.mulf %gather3A_223, %gather3A_224 : vector<16xf32>
      %add3A_238 = arith.addf %add3A_212, %mul3A_237 : vector<16xf32>
      %mul3A_239 = arith.mulf %gather3A_228, %gather3A_228 : vector<16xf32>
      %add3A_240 = arith.addf %add3A_214, %mul3A_239 : vector<16xf32>
      %mul3A_241 = arith.mulf %gather3A_223, %gather3A_228 : vector<16xf32>
      %add3A_242 = arith.addf %add3A_216, %mul3A_241 : vector<16xf32>
      %mul3A_243 = arith.mulf %gather3A_232, %gather3A_232 : vector<16xf32>
      %add3A_244 = arith.addf %add3A_218, %mul3A_243 : vector<16xf32>
      %mul3A_245 = arith.mulf %gather3A_223, %gather3A_232 : vector<16xf32>
      %add3A_246 = arith.addf %add3A_220, %mul3A_245 : vector<16xf32>
      %broadcast_in_dim3A_247 = arith.constant 8 : i32
      %broadcast_in_dim3A_248 = vector.broadcast %broadcast_in_dim3A_247 : i32 to vector<16xi32>
      %gather3A_249 = tpu.vector_load_idx %arg17[%add3A_29, %broadcast_in_dim3A_248] : memref<512x32xf32, #tpu.memory_space<vmem>>[vector<16xi32>, vector<16xi32>], vector<16xf32>,
      %gather3A_250 = tpu.vector_load_idx %arg18[%add3A_29, %broadcast_in_dim3A_248] : memref<512x32xf32, #tpu.memory_space<vmem>>[vector<16xi32>, vector<16xi32>], vector<16xf32>,
      %add3A_251 = arith.constant 8 : i32
      %add3A_252 = vector.broadcast %add3A_251 : i32 to vector<16xi32>
      %add3A_253 = arith.addi %shift_left3A_32, %add3A_252 : vector<16xi32>
      %gather3A_254 = tpu.vector_load_idx %arg21[%add3A_253] : memref<1024xf32, #tpu.memory_space<vmem>>[vector<16xi32>], vector<16xf32>,
      %add3A_255 = arith.constant 8 : i32
      %add3A_256 = vector.broadcast %add3A_255 : i32 to vector<16xi32>
      %add3A_257 = arith.addi %shift_left3A_37, %add3A_256 : vector<16xi32>
      %gather3A_258 = tpu.vector_load_idx %arg22[%add3A_257] : memref<3840xf32, #tpu.memory_space<vmem>>[vector<16xi32>], vector<16xf32>,
      %mul3A_259 = arith.mulf %gather3A_249, %gather3A_249 : vector<16xf32>
      %add3A_260 = arith.addf %add3A_234, %mul3A_259 : vector<16xf32>
      %mul3A_261 = arith.mulf %gather3A_250, %gather3A_250 : vector<16xf32>
      %add3A_262 = arith.addf %add3A_236, %mul3A_261 : vector<16xf32>
      %mul3A_263 = arith.mulf %gather3A_249, %gather3A_250 : vector<16xf32>
      %add3A_264 = arith.addf %add3A_238, %mul3A_263 : vector<16xf32>
      %mul3A_265 = arith.mulf %gather3A_254, %gather3A_254 : vector<16xf32>
      %add3A_266 = arith.addf %add3A_240, %mul3A_265 : vector<16xf32>
      %mul3A_267 = arith.mulf %gather3A_249, %gather3A_254 : vector<16xf32>
      %add3A_268 = arith.addf %add3A_242, %mul3A_267 : vector<16xf32>
      %mul3A_269 = arith.mulf %gather3A_258, %gather3A_258 : vector<16xf32>
      %add3A_270 = arith.addf %add3A_244, %mul3A_269 : vector<16xf32>
      %mul3A_271 = arith.mulf %gather3A_249, %gather3A_258 : vector<16xf32>
      %add3A_272 = arith.addf %add3A_246, %mul3A_271 : vector<16xf32>
      %broadcast_in_dim3A_273 = arith.constant 9 : i32
      %broadcast_in_dim3A_274 = vector.broadcast %broadcast_in_dim3A_273 : i32 to vector<16xi32>
      %gather3A_275 = tpu.vector_load_idx %arg17[%add3A_29, %broadcast_in_dim3A_274] : memref<512x32xf32, #tpu.memory_space<vmem>>[vector<16xi32>, vector<16xi32>], vector<16xf32>,
      %gather3A_276 = tpu.vector_load_idx %arg18[%add3A_29, %broadcast_in_dim3A_274] : memref<512x32xf32, #tpu.memory_space<vmem>>[vector<16xi32>, vector<16xi32>], vector<16xf32>,
      %add3A_277 = arith.constant 9 : i32
      %add3A_278 = vector.broadcast %add3A_277 : i32 to vector<16xi32>
      %add3A_279 = arith.addi %shift_left3A_32, %add3A_278 : vector<16xi32>
      %gather3A_280 = tpu.vector_load_idx %arg21[%add3A_279] : memref<1024xf32, #tpu.memory_space<vmem>>[vector<16xi32>], vector<16xf32>,
      %add3A_281 = arith.constant 9 : i32
      %add3A_282 = vector.broadcast %add3A_281 : i32 to vector<16xi32>
      %add3A_283 = arith.addi %shift_left3A_37, %add3A_282 : vector<16xi32>
      %gather3A_284 = tpu.vector_load_idx %arg22[%add3A_283] : memref<3840xf32, #tpu.memory_space<vmem>>[vector<16xi32>], vector<16xf32>,
      %mul3A_285 = arith.mulf %gather3A_275, %gather3A_275 : vector<16xf32>
      %add3A_286 = arith.addf %add3A_260, %mul3A_285 : vector<16xf32>
      %mul3A_287 = arith.mulf %gather3A_276, %gather3A_276 : vector<16xf32>
      %add3A_288 = arith.addf %add3A_262, %mul3A_287 : vector<16xf32>
      %mul3A_289 = arith.mulf %gather3A_275, %gather3A_276 : vector<16xf32>
      %add3A_290 = arith.addf %add3A_264, %mul3A_289 : vector<16xf32>
      %mul3A_291 = arith.mulf %gather3A_280, %gather3A_280 : vector<16xf32>
      %add3A_292 = arith.addf %add3A_266, %mul3A_291 : vector<16xf32>
      %mul3A_293 = arith.mulf %gather3A_275, %gather3A_280 : vector<16xf32>
      %add3A_294 = arith.addf %add3A_268, %mul3A_293 : vector<16xf32>
      %mul3A_295 = arith.mulf %gather3A_284, %gather3A_284 : vector<16xf32>
      %add3A_296 = arith.addf %add3A_270, %mul3A_295 : vector<16xf32>
      %mul3A_297 = arith.mulf %gather3A_275, %gather3A_284 : vector<16xf32>
      %add3A_298 = arith.addf %add3A_272, %mul3A_297 : vector<16xf32>
      %broadcast_in_dim3A_299 = arith.constant 10 : i32
      %broadcast_in_dim3A_300 = vector.broadcast %broadcast_in_dim3A_299 : i32 to vector<16xi32>
      %gather3A_301 = tpu.vector_load_idx %arg17[%add3A_29, %broadcast_in_dim3A_300] : memref<512x32xf32, #tpu.memory_space<vmem>>[vector<16xi32>, vector<16xi32>], vector<16xf32>,
      %gather3A_302 = tpu.vector_load_idx %arg18[%add3A_29, %broadcast_in_dim3A_300] : memref<512x32xf32, #tpu.memory_space<vmem>>[vector<16xi32>, vector<16xi32>], vector<16xf32>,
      %add3A_303 = arith.constant 10 : i32
      %add3A_304 = vector.broadcast %add3A_303 : i32 to vector<16xi32>
      %add3A_305 = arith.addi %shift_left3A_32, %add3A_304 : vector<16xi32>
      %gather3A_306 = tpu.vector_load_idx %arg21[%add3A_305] : memref<1024xf32, #tpu.memory_space<vmem>>[vector<16xi32>], vector<16xf32>,
      %add3A_307 = arith.constant 10 : i32
      %add3A_308 = vector.broadcast %add3A_307 : i32 to vector<16xi32>
      %add3A_309 = arith.addi %shift_left3A_37, %add3A_308 : vector<16xi32>
      %gather3A_310 = tpu.vector_load_idx %arg22[%add3A_309] : memref<3840xf32, #tpu.memory_space<vmem>>[vector<16xi32>], vector<16xf32>,
      %mul3A_311 = arith.mulf %gather3A_301, %gather3A_301 : vector<16xf32>
      %add3A_312 = arith.addf %add3A_286, %mul3A_311 : vector<16xf32>
      %mul3A_313 = arith.mulf %gather3A_302, %gather3A_302 : vector<16xf32>
      %add3A_314 = arith.addf %add3A_288, %mul3A_313 : vector<16xf32>
      %mul3A_315 = arith.mulf %gather3A_301, %gather3A_302 : vector<16xf32>
      %add3A_316 = arith.addf %add3A_290, %mul3A_315 : vector<16xf32>
      %mul3A_317 = arith.mulf %gather3A_306, %gather3A_306 : vector<16xf32>
      %add3A_318 = arith.addf %add3A_292, %mul3A_317 : vector<16xf32>
      %mul3A_319 = arith.mulf %gather3A_301, %gather3A_306 : vector<16xf32>
      %add3A_320 = arith.addf %add3A_294, %mul3A_319 : vector<16xf32>
      %mul3A_321 = arith.mulf %gather3A_310, %gather3A_310 : vector<16xf32>
      %add3A_322 = arith.addf %add3A_296, %mul3A_321 : vector<16xf32>
      %mul3A_323 = arith.mulf %gather3A_301, %gather3A_310 : vector<16xf32>
      %add3A_324 = arith.addf %add3A_298, %mul3A_323 : vector<16xf32>
      %broadcast_in_dim3A_325 = arith.constant 11 : i32
      %broadcast_in_dim3A_326 = vector.broadcast %broadcast_in_dim3A_325 : i32 to vector<16xi32>
      %gather3A_327 = tpu.vector_load_idx %arg17[%add3A_29, %broadcast_in_dim3A_326] : memref<512x32xf32, #tpu.memory_space<vmem>>[vector<16xi32>, vector<16xi32>], vector<16xf32>,
      %gather3A_328 = tpu.vector_load_idx %arg18[%add3A_29, %broadcast_in_dim3A_326] : memref<512x32xf32, #tpu.memory_space<vmem>>[vector<16xi32>, vector<16xi32>], vector<16xf32>,
      %add3A_329 = arith.constant 11 : i32
      %add3A_330 = vector.broadcast %add3A_329 : i32 to vector<16xi32>
      %add3A_331 = arith.addi %shift_left3A_32, %add3A_330 : vector<16xi32>
      %gather3A_332 = tpu.vector_load_idx %arg21[%add3A_331] : memref<1024xf32, #tpu.memory_space<vmem>>[vector<16xi32>], vector<16xf32>,
      %add3A_333 = arith.constant 11 : i32
      %add3A_334 = vector.broadcast %add3A_333 : i32 to vector<16xi32>
      %add3A_335 = arith.addi %shift_left3A_37, %add3A_334 : vector<16xi32>
      %gather3A_336 = tpu.vector_load_idx %arg22[%add3A_335] : memref<3840xf32, #tpu.memory_space<vmem>>[vector<16xi32>], vector<16xf32>,
      %mul3A_337 = arith.mulf %gather3A_327, %gather3A_327 : vector<16xf32>
      %add3A_338 = arith.addf %add3A_312, %mul3A_337 : vector<16xf32>
      %mul3A_339 = arith.mulf %gather3A_328, %gather3A_328 : vector<16xf32>
      %add3A_340 = arith.addf %add3A_314, %mul3A_339 : vector<16xf32>
      %mul3A_341 = arith.mulf %gather3A_327, %gather3A_328 : vector<16xf32>
      %add3A_342 = arith.addf %add3A_316, %mul3A_341 : vector<16xf32>
      %mul3A_343 = arith.mulf %gather3A_332, %gather3A_332 : vector<16xf32>
      %add3A_344 = arith.addf %add3A_318, %mul3A_343 : vector<16xf32>
      %mul3A_345 = arith.mulf %gather3A_327, %gather3A_332 : vector<16xf32>
      %add3A_346 = arith.addf %add3A_320, %mul3A_345 : vector<16xf32>
      %mul3A_347 = arith.mulf %gather3A_336, %gather3A_336 : vector<16xf32>
      %add3A_348 = arith.addf %add3A_322, %mul3A_347 : vector<16xf32>
      %mul3A_349 = arith.mulf %gather3A_327, %gather3A_336 : vector<16xf32>
      %add3A_350 = arith.addf %add3A_324, %mul3A_349 : vector<16xf32>
      %broadcast_in_dim3A_351 = arith.constant 12 : i32
      %broadcast_in_dim3A_352 = vector.broadcast %broadcast_in_dim3A_351 : i32 to vector<16xi32>
      %gather3A_353 = tpu.vector_load_idx %arg17[%add3A_29, %broadcast_in_dim3A_352] : memref<512x32xf32, #tpu.memory_space<vmem>>[vector<16xi32>, vector<16xi32>], vector<16xf32>,
      %gather3A_354 = tpu.vector_load_idx %arg18[%add3A_29, %broadcast_in_dim3A_352] : memref<512x32xf32, #tpu.memory_space<vmem>>[vector<16xi32>, vector<16xi32>], vector<16xf32>,
      %add3A_355 = arith.constant 12 : i32
      %add3A_356 = vector.broadcast %add3A_355 : i32 to vector<16xi32>
      %add3A_357 = arith.addi %shift_left3A_32, %add3A_356 : vector<16xi32>
      %gather3A_358 = tpu.vector_load_idx %arg21[%add3A_357] : memref<1024xf32, #tpu.memory_space<vmem>>[vector<16xi32>], vector<16xf32>,
      %add3A_359 = arith.constant 12 : i32
      %add3A_360 = vector.broadcast %add3A_359 : i32 to vector<16xi32>
      %add3A_361 = arith.addi %shift_left3A_37, %add3A_360 : vector<16xi32>
      %gather3A_362 = tpu.vector_load_idx %arg22[%add3A_361] : memref<3840xf32, #tpu.memory_space<vmem>>[vector<16xi32>], vector<16xf32>,
      %mul3A_363 = arith.mulf %gather3A_353, %gather3A_353 : vector<16xf32>
      %add3A_364 = arith.addf %add3A_338, %mul3A_363 : vector<16xf32>
      %mul3A_365 = arith.mulf %gather3A_354, %gather3A_354 : vector<16xf32>
      %add3A_366 = arith.addf %add3A_340, %mul3A_365 : vector<16xf32>
      %mul3A_367 = arith.mulf %gather3A_353, %gather3A_354 : vector<16xf32>
      %add3A_368 = arith.addf %add3A_342, %mul3A_367 : vector<16xf32>
      %mul3A_369 = arith.mulf %gather3A_358, %gather3A_358 : vector<16xf32>
      %add3A_370 = arith.addf %add3A_344, %mul3A_369 : vector<16xf32>
      %mul3A_371 = arith.mulf %gather3A_353, %gather3A_358 : vector<16xf32>
      %add3A_372 = arith.addf %add3A_346, %mul3A_371 : vector<16xf32>
      %mul3A_373 = arith.mulf %gather3A_362, %gather3A_362 : vector<16xf32>
      %add3A_374 = arith.addf %add3A_348, %mul3A_373 : vector<16xf32>
      %mul3A_375 = arith.mulf %gather3A_353, %gather3A_362 : vector<16xf32>
      %add3A_376 = arith.addf %add3A_350, %mul3A_375 : vector<16xf32>
      %broadcast_in_dim3A_377 = arith.constant 13 : i32
      %broadcast_in_dim3A_378 = vector.broadcast %broadcast_in_dim3A_377 : i32 to vector<16xi32>
      %gather3A_379 = tpu.vector_load_idx %arg17[%add3A_29, %broadcast_in_dim3A_378] : memref<512x32xf32, #tpu.memory_space<vmem>>[vector<16xi32>, vector<16xi32>], vector<16xf32>,
      %gather3A_380 = tpu.vector_load_idx %arg18[%add3A_29, %broadcast_in_dim3A_378] : memref<512x32xf32, #tpu.memory_space<vmem>>[vector<16xi32>, vector<16xi32>], vector<16xf32>,
      %add3A_381 = arith.constant 13 : i32
      %add3A_382 = vector.broadcast %add3A_381 : i32 to vector<16xi32>
      %add3A_383 = arith.addi %shift_left3A_32, %add3A_382 : vector<16xi32>
      %gather3A_384 = tpu.vector_load_idx %arg21[%add3A_383] : memref<1024xf32, #tpu.memory_space<vmem>>[vector<16xi32>], vector<16xf32>,
      %add3A_385 = arith.constant 13 : i32
      %add3A_386 = vector.broadcast %add3A_385 : i32 to vector<16xi32>
      %add3A_387 = arith.addi %shift_left3A_37, %add3A_386 : vector<16xi32>
      %gather3A_388 = tpu.vector_load_idx %arg22[%add3A_387] : memref<3840xf32, #tpu.memory_space<vmem>>[vector<16xi32>], vector<16xf32>,
      %mul3A_389 = arith.mulf %gather3A_379, %gather3A_379 : vector<16xf32>
      %add3A_390 = arith.addf %add3A_364, %mul3A_389 : vector<16xf32>
      %mul3A_391 = arith.mulf %gather3A_380, %gather3A_380 : vector<16xf32>
      %add3A_392 = arith.addf %add3A_366, %mul3A_391 : vector<16xf32>
      %mul3A_393 = arith.mulf %gather3A_379, %gather3A_380 : vector<16xf32>
      %add3A_394 = arith.addf %add3A_368, %mul3A_393 : vector<16xf32>
      %mul3A_395 = arith.mulf %gather3A_384, %gather3A_384 : vector<16xf32>
      %add3A_396 = arith.addf %add3A_370, %mul3A_395 : vector<16xf32>
      %mul3A_397 = arith.mulf %gather3A_379, %gather3A_384 : vector<16xf32>
      %add3A_398 = arith.addf %add3A_372, %mul3A_397 : vector<16xf32>
      %mul3A_399 = arith.mulf %gather3A_388, %gather3A_388 : vector<16xf32>
      %add3A_400 = arith.addf %add3A_374, %mul3A_399 : vector<16xf32>
      %mul3A_401 = arith.mulf %gather3A_379, %gather3A_388 : vector<16xf32>
      %add3A_402 = arith.addf %add3A_376, %mul3A_401 : vector<16xf32>
      %broadcast_in_dim3A_403 = arith.constant 14 : i32
      %broadcast_in_dim3A_404 = vector.broadcast %broadcast_in_dim3A_403 : i32 to vector<16xi32>
      %gather3A_405 = tpu.vector_load_idx %arg17[%add3A_29, %broadcast_in_dim3A_404] : memref<512x32xf32, #tpu.memory_space<vmem>>[vector<16xi32>, vector<16xi32>], vector<16xf32>,
      %gather3A_406 = tpu.vector_load_idx %arg18[%add3A_29, %broadcast_in_dim3A_404] : memref<512x32xf32, #tpu.memory_space<vmem>>[vector<16xi32>, vector<16xi32>], vector<16xf32>,
      %add3A_407 = arith.constant 14 : i32
      %add3A_408 = vector.broadcast %add3A_407 : i32 to vector<16xi32>
      %add3A_409 = arith.addi %shift_left3A_32, %add3A_408 : vector<16xi32>
      %gather3A_410 = tpu.vector_load_idx %arg21[%add3A_409] : memref<1024xf32, #tpu.memory_space<vmem>>[vector<16xi32>], vector<16xf32>,
      %add3A_411 = arith.constant 14 : i32
      %add3A_412 = vector.broadcast %add3A_411 : i32 to vector<16xi32>
      %add3A_413 = arith.addi %shift_left3A_37, %add3A_412 : vector<16xi32>
      %gather3A_414 = tpu.vector_load_idx %arg22[%add3A_413] : memref<3840xf32, #tpu.memory_space<vmem>>[vector<16xi32>], vector<16xf32>,
      %mul3A_415 = arith.mulf %gather3A_405, %gather3A_405 : vector<16xf32>
      %add3A_416 = arith.addf %add3A_390, %mul3A_415 : vector<16xf32>
      %mul3A_417 = arith.mulf %gather3A_406, %gather3A_406 : vector<16xf32>
      %add3A_418 = arith.addf %add3A_392, %mul3A_417 : vector<16xf32>
      %mul3A_419 = arith.mulf %gather3A_405, %gather3A_406 : vector<16xf32>
      %add3A_420 = arith.addf %add3A_394, %mul3A_419 : vector<16xf32>
      %mul3A_421 = arith.mulf %gather3A_410, %gather3A_410 : vector<16xf32>
      %add3A_422 = arith.addf %add3A_396, %mul3A_421 : vector<16xf32>
      %mul3A_423 = arith.mulf %gather3A_405, %gather3A_410 : vector<16xf32>
      %add3A_424 = arith.addf %add3A_398, %mul3A_423 : vector<16xf32>
      %mul3A_425 = arith.mulf %gather3A_414, %gather3A_414 : vector<16xf32>
      %add3A_426 = arith.addf %add3A_400, %mul3A_425 : vector<16xf32>
      %mul3A_427 = arith.mulf %gather3A_405, %gather3A_414 : vector<16xf32>
      %add3A_428 = arith.addf %add3A_402, %mul3A_427 : vector<16xf32>
      %broadcast_in_dim3A_429 = arith.constant 15 : i32
      %broadcast_in_dim3A_430 = vector.broadcast %broadcast_in_dim3A_429 : i32 to vector<16xi32>
      %gather3A_431 = tpu.vector_load_idx %arg17[%add3A_29, %broadcast_in_dim3A_430] : memref<512x32xf32, #tpu.memory_space<vmem>>[vector<16xi32>, vector<16xi32>], vector<16xf32>,
      %gather3A_432 = tpu.vector_load_idx %arg18[%add3A_29, %broadcast_in_dim3A_430] : memref<512x32xf32, #tpu.memory_space<vmem>>[vector<16xi32>, vector<16xi32>], vector<16xf32>,
      %add3A_433 = arith.constant 15 : i32
      %add3A_434 = vector.broadcast %add3A_433 : i32 to vector<16xi32>
      %add3A_435 = arith.addi %shift_left3A_32, %add3A_434 : vector<16xi32>
      %gather3A_436 = tpu.vector_load_idx %arg21[%add3A_435] : memref<1024xf32, #tpu.memory_space<vmem>>[vector<16xi32>], vector<16xf32>,
      %add3A_437 = arith.constant 15 : i32
      %add3A_438 = vector.broadcast %add3A_437 : i32 to vector<16xi32>
      %add3A_439 = arith.addi %shift_left3A_37, %add3A_438 : vector<16xi32>
      %gather3A_440 = tpu.vector_load_idx %arg22[%add3A_439] : memref<3840xf32, #tpu.memory_space<vmem>>[vector<16xi32>], vector<16xf32>,
      %mul3A_441 = arith.mulf %gather3A_431, %gather3A_431 : vector<16xf32>
      %add3A_442 = arith.addf %add3A_416, %mul3A_441 : vector<16xf32>
      %mul3A_443 = arith.mulf %gather3A_432, %gather3A_432 : vector<16xf32>
      %add3A_444 = arith.addf %add3A_418, %mul3A_443 : vector<16xf32>
      %mul3A_445 = arith.mulf %gather3A_431, %gather3A_432 : vector<16xf32>
      %add3A_446 = arith.addf %add3A_420, %mul3A_445 : vector<16xf32>
      %mul3A_447 = arith.mulf %gather3A_436, %gather3A_436 : vector<16xf32>
      %add3A_448 = arith.addf %add3A_422, %mul3A_447 : vector<16xf32>
      %mul3A_449 = arith.mulf %gather3A_431, %gather3A_436 : vector<16xf32>
      %add3A_450 = arith.addf %add3A_424, %mul3A_449 : vector<16xf32>
      %mul3A_451 = arith.mulf %gather3A_440, %gather3A_440 : vector<16xf32>
      %add3A_452 = arith.addf %add3A_426, %mul3A_451 : vector<16xf32>
      %mul3A_453 = arith.mulf %gather3A_431, %gather3A_440 : vector<16xf32>
      %add3A_454 = arith.addf %add3A_428, %mul3A_453 : vector<16xf32>
      %broadcast_in_dim3A_455 = arith.constant 16 : i32
      %broadcast_in_dim3A_456 = vector.broadcast %broadcast_in_dim3A_455 : i32 to vector<16xi32>
      %gather3A_457 = tpu.vector_load_idx %arg17[%add3A_29, %broadcast_in_dim3A_456] : memref<512x32xf32, #tpu.memory_space<vmem>>[vector<16xi32>, vector<16xi32>], vector<16xf32>,
      %gather3A_458 = tpu.vector_load_idx %arg18[%add3A_29, %broadcast_in_dim3A_456] : memref<512x32xf32, #tpu.memory_space<vmem>>[vector<16xi32>, vector<16xi32>], vector<16xf32>,
      %add3A_459 = arith.constant 16 : i32
      %add3A_460 = vector.broadcast %add3A_459 : i32 to vector<16xi32>
      %add3A_461 = arith.addi %shift_left3A_32, %add3A_460 : vector<16xi32>
      %gather3A_462 = tpu.vector_load_idx %arg21[%add3A_461] : memref<1024xf32, #tpu.memory_space<vmem>>[vector<16xi32>], vector<16xf32>,
      %add3A_463 = arith.constant 16 : i32
      %add3A_464 = vector.broadcast %add3A_463 : i32 to vector<16xi32>
      %add3A_465 = arith.addi %shift_left3A_37, %add3A_464 : vector<16xi32>
      %gather3A_466 = tpu.vector_load_idx %arg22[%add3A_465] : memref<3840xf32, #tpu.memory_space<vmem>>[vector<16xi32>], vector<16xf32>,
      %mul3A_467 = arith.mulf %gather3A_457, %gather3A_457 : vector<16xf32>
      %add3A_468 = arith.addf %add3A_442, %mul3A_467 : vector<16xf32>
      %mul3A_469 = arith.mulf %gather3A_458, %gather3A_458 : vector<16xf32>
      %add3A_470 = arith.addf %add3A_444, %mul3A_469 : vector<16xf32>
      %mul3A_471 = arith.mulf %gather3A_457, %gather3A_458 : vector<16xf32>
      %add3A_472 = arith.addf %add3A_446, %mul3A_471 : vector<16xf32>
      %mul3A_473 = arith.mulf %gather3A_462, %gather3A_462 : vector<16xf32>
      %add3A_474 = arith.addf %add3A_448, %mul3A_473 : vector<16xf32>
      %mul3A_475 = arith.mulf %gather3A_457, %gather3A_462 : vector<16xf32>
      %add3A_476 = arith.addf %add3A_450, %mul3A_475 : vector<16xf32>
      %mul3A_477 = arith.mulf %gather3A_466, %gather3A_466 : vector<16xf32>
      %add3A_478 = arith.addf %add3A_452, %mul3A_477 : vector<16xf32>
      %mul3A_479 = arith.mulf %gather3A_457, %gather3A_466 : vector<16xf32>
      %add3A_480 = arith.addf %add3A_454, %mul3A_479 : vector<16xf32>
      %broadcast_in_dim3A_481 = arith.constant 17 : i32
      %broadcast_in_dim3A_482 = vector.broadcast %broadcast_in_dim3A_481 : i32 to vector<16xi32>
      %gather3A_483 = tpu.vector_load_idx %arg17[%add3A_29, %broadcast_in_dim3A_482] : memref<512x32xf32, #tpu.memory_space<vmem>>[vector<16xi32>, vector<16xi32>], vector<16xf32>,
      %gather3A_484 = tpu.vector_load_idx %arg18[%add3A_29, %broadcast_in_dim3A_482] : memref<512x32xf32, #tpu.memory_space<vmem>>[vector<16xi32>, vector<16xi32>], vector<16xf32>,
      %add3A_485 = arith.constant 17 : i32
      %add3A_486 = vector.broadcast %add3A_485 : i32 to vector<16xi32>
      %add3A_487 = arith.addi %shift_left3A_32, %add3A_486 : vector<16xi32>
      %gather3A_488 = tpu.vector_load_idx %arg21[%add3A_487] : memref<1024xf32, #tpu.memory_space<vmem>>[vector<16xi32>], vector<16xf32>,
      %add3A_489 = arith.constant 17 : i32
      %add3A_490 = vector.broadcast %add3A_489 : i32 to vector<16xi32>
      %add3A_491 = arith.addi %shift_left3A_37, %add3A_490 : vector<16xi32>
      %gather3A_492 = tpu.vector_load_idx %arg22[%add3A_491] : memref<3840xf32, #tpu.memory_space<vmem>>[vector<16xi32>], vector<16xf32>,
      %mul3A_493 = arith.mulf %gather3A_483, %gather3A_483 : vector<16xf32>
      %add3A_494 = arith.addf %add3A_468, %mul3A_493 : vector<16xf32>
      %mul3A_495 = arith.mulf %gather3A_484, %gather3A_484 : vector<16xf32>
      %add3A_496 = arith.addf %add3A_470, %mul3A_495 : vector<16xf32>
      %mul3A_497 = arith.mulf %gather3A_483, %gather3A_484 : vector<16xf32>
      %add3A_498 = arith.addf %add3A_472, %mul3A_497 : vector<16xf32>
      %mul3A_499 = arith.mulf %gather3A_488, %gather3A_488 : vector<16xf32>
      %add3A_500 = arith.addf %add3A_474, %mul3A_499 : vector<16xf32>
      %mul3A_501 = arith.mulf %gather3A_483, %gather3A_488 : vector<16xf32>
      %add3A_502 = arith.addf %add3A_476, %mul3A_501 : vector<16xf32>
      %mul3A_503 = arith.mulf %gather3A_492, %gather3A_492 : vector<16xf32>
      %add3A_504 = arith.addf %add3A_478, %mul3A_503 : vector<16xf32>
      %mul3A_505 = arith.mulf %gather3A_483, %gather3A_492 : vector<16xf32>
      %add3A_506 = arith.addf %add3A_480, %mul3A_505 : vector<16xf32>
      %broadcast_in_dim3A_507 = arith.constant 18 : i32
      %broadcast_in_dim3A_508 = vector.broadcast %broadcast_in_dim3A_507 : i32 to vector<16xi32>
      %gather3A_509 = tpu.vector_load_idx %arg17[%add3A_29, %broadcast_in_dim3A_508] : memref<512x32xf32, #tpu.memory_space<vmem>>[vector<16xi32>, vector<16xi32>], vector<16xf32>,
      %gather3A_510 = tpu.vector_load_idx %arg18[%add3A_29, %broadcast_in_dim3A_508] : memref<512x32xf32, #tpu.memory_space<vmem>>[vector<16xi32>, vector<16xi32>], vector<16xf32>,
      %add3A_511 = arith.constant 18 : i32
      %add3A_512 = vector.broadcast %add3A_511 : i32 to vector<16xi32>
      %add3A_513 = arith.addi %shift_left3A_32, %add3A_512 : vector<16xi32>
      %gather3A_514 = tpu.vector_load_idx %arg21[%add3A_513] : memref<1024xf32, #tpu.memory_space<vmem>>[vector<16xi32>], vector<16xf32>,
      %add3A_515 = arith.constant 18 : i32
      %add3A_516 = vector.broadcast %add3A_515 : i32 to vector<16xi32>
      %add3A_517 = arith.addi %shift_left3A_37, %add3A_516 : vector<16xi32>
      %gather3A_518 = tpu.vector_load_idx %arg22[%add3A_517] : memref<3840xf32, #tpu.memory_space<vmem>>[vector<16xi32>], vector<16xf32>,
      %mul3A_519 = arith.mulf %gather3A_509, %gather3A_509 : vector<16xf32>
      %add3A_520 = arith.addf %add3A_494, %mul3A_519 : vector<16xf32>
      %mul3A_521 = arith.mulf %gather3A_510, %gather3A_510 : vector<16xf32>
      %add3A_522 = arith.addf %add3A_496, %mul3A_521 : vector<16xf32>
      %mul3A_523 = arith.mulf %gather3A_509, %gather3A_510 : vector<16xf32>
      %add3A_524 = arith.addf %add3A_498, %mul3A_523 : vector<16xf32>
      %mul3A_525 = arith.mulf %gather3A_514, %gather3A_514 : vector<16xf32>
      %add3A_526 = arith.addf %add3A_500, %mul3A_525 : vector<16xf32>
      %mul3A_527 = arith.mulf %gather3A_509, %gather3A_514 : vector<16xf32>
      %add3A_528 = arith.addf %add3A_502, %mul3A_527 : vector<16xf32>
      %mul3A_529 = arith.mulf %gather3A_518, %gather3A_518 : vector<16xf32>
      %add3A_530 = arith.addf %add3A_504, %mul3A_529 : vector<16xf32>
      %mul3A_531 = arith.mulf %gather3A_509, %gather3A_518 : vector<16xf32>
      %add3A_532 = arith.addf %add3A_506, %mul3A_531 : vector<16xf32>
      %broadcast_in_dim3A_533 = arith.constant 19 : i32
      %broadcast_in_dim3A_534 = vector.broadcast %broadcast_in_dim3A_533 : i32 to vector<16xi32>
      %gather3A_535 = tpu.vector_load_idx %arg17[%add3A_29, %broadcast_in_dim3A_534] : memref<512x32xf32, #tpu.memory_space<vmem>>[vector<16xi32>, vector<16xi32>], vector<16xf32>,
      %gather3A_536 = tpu.vector_load_idx %arg18[%add3A_29, %broadcast_in_dim3A_534] : memref<512x32xf32, #tpu.memory_space<vmem>>[vector<16xi32>, vector<16xi32>], vector<16xf32>,
      %add3A_537 = arith.constant 19 : i32
      %add3A_538 = vector.broadcast %add3A_537 : i32 to vector<16xi32>
      %add3A_539 = arith.addi %shift_left3A_32, %add3A_538 : vector<16xi32>
      %gather3A_540 = tpu.vector_load_idx %arg21[%add3A_539] : memref<1024xf32, #tpu.memory_space<vmem>>[vector<16xi32>], vector<16xf32>,
      %add3A_541 = arith.constant 19 : i32
      %add3A_542 = vector.broadcast %add3A_541 : i32 to vector<16xi32>
      %add3A_543 = arith.addi %shift_left3A_37, %add3A_542 : vector<16xi32>
      %gather3A_544 = tpu.vector_load_idx %arg22[%add3A_543] : memref<3840xf32, #tpu.memory_space<vmem>>[vector<16xi32>], vector<16xf32>,
      %mul3A_545 = arith.mulf %gather3A_535, %gather3A_535 : vector<16xf32>
      %add3A_546 = arith.addf %add3A_520, %mul3A_545 : vector<16xf32>
      %mul3A_547 = arith.mulf %gather3A_536, %gather3A_536 : vector<16xf32>
      %add3A_548 = arith.addf %add3A_522, %mul3A_547 : vector<16xf32>
      %mul3A_549 = arith.mulf %gather3A_535, %gather3A_536 : vector<16xf32>
      %add3A_550 = arith.addf %add3A_524, %mul3A_549 : vector<16xf32>
      %mul3A_551 = arith.mulf %gather3A_540, %gather3A_540 : vector<16xf32>
      %add3A_552 = arith.addf %add3A_526, %mul3A_551 : vector<16xf32>
      %mul3A_553 = arith.mulf %gather3A_535, %gather3A_540 : vector<16xf32>
      %add3A_554 = arith.addf %add3A_528, %mul3A_553 : vector<16xf32>
      %mul3A_555 = arith.mulf %gather3A_544, %gather3A_544 : vector<16xf32>
      %add3A_556 = arith.addf %add3A_530, %mul3A_555 : vector<16xf32>
      %mul3A_557 = arith.mulf %gather3A_535, %gather3A_544 : vector<16xf32>
      %add3A_558 = arith.addf %add3A_532, %mul3A_557 : vector<16xf32>
      %broadcast_in_dim3A_559 = arith.constant 20 : i32
      %broadcast_in_dim3A_560 = vector.broadcast %broadcast_in_dim3A_559 : i32 to vector<16xi32>
      %gather3A_561 = tpu.vector_load_idx %arg17[%add3A_29, %broadcast_in_dim3A_560] : memref<512x32xf32, #tpu.memory_space<vmem>>[vector<16xi32>, vector<16xi32>], vector<16xf32>,
      %gather3A_562 = tpu.vector_load_idx %arg18[%add3A_29, %broadcast_in_dim3A_560] : memref<512x32xf32, #tpu.memory_space<vmem>>[vector<16xi32>, vector<16xi32>], vector<16xf32>,
      %add3A_563 = arith.constant 20 : i32
      %add3A_564 = vector.broadcast %add3A_563 : i32 to vector<16xi32>
      %add3A_565 = arith.addi %shift_left3A_32, %add3A_564 : vector<16xi32>
      %gather3A_566 = tpu.vector_load_idx %arg21[%add3A_565] : memref<1024xf32, #tpu.memory_space<vmem>>[vector<16xi32>], vector<16xf32>,
      %add3A_567 = arith.constant 20 : i32
      %add3A_568 = vector.broadcast %add3A_567 : i32 to vector<16xi32>
      %add3A_569 = arith.addi %shift_left3A_37, %add3A_568 : vector<16xi32>
      %gather3A_570 = tpu.vector_load_idx %arg22[%add3A_569] : memref<3840xf32, #tpu.memory_space<vmem>>[vector<16xi32>], vector<16xf32>,
      %mul3A_571 = arith.mulf %gather3A_561, %gather3A_561 : vector<16xf32>
      %add3A_572 = arith.addf %add3A_546, %mul3A_571 : vector<16xf32>
      %mul3A_573 = arith.mulf %gather3A_562, %gather3A_562 : vector<16xf32>
      %add3A_574 = arith.addf %add3A_548, %mul3A_573 : vector<16xf32>
      %mul3A_575 = arith.mulf %gather3A_561, %gather3A_562 : vector<16xf32>
      %add3A_576 = arith.addf %add3A_550, %mul3A_575 : vector<16xf32>
      %mul3A_577 = arith.mulf %gather3A_566, %gather3A_566 : vector<16xf32>
      %add3A_578 = arith.addf %add3A_552, %mul3A_577 : vector<16xf32>
      %mul3A_579 = arith.mulf %gather3A_561, %gather3A_566 : vector<16xf32>
      %add3A_580 = arith.addf %add3A_554, %mul3A_579 : vector<16xf32>
      %mul3A_581 = arith.mulf %gather3A_570, %gather3A_570 : vector<16xf32>
      %add3A_582 = arith.addf %add3A_556, %mul3A_581 : vector<16xf32>
      %mul3A_583 = arith.mulf %gather3A_561, %gather3A_570 : vector<16xf32>
      %add3A_584 = arith.addf %add3A_558, %mul3A_583 : vector<16xf32>
      %broadcast_in_dim3A_585 = arith.constant 21 : i32
      %broadcast_in_dim3A_586 = vector.broadcast %broadcast_in_dim3A_585 : i32 to vector<16xi32>
      %gather3A_587 = tpu.vector_load_idx %arg17[%add3A_29, %broadcast_in_dim3A_586] : memref<512x32xf32, #tpu.memory_space<vmem>>[vector<16xi32>, vector<16xi32>], vector<16xf32>,
      %gather3A_588 = tpu.vector_load_idx %arg18[%add3A_29, %broadcast_in_dim3A_586] : memref<512x32xf32, #tpu.memory_space<vmem>>[vector<16xi32>, vector<16xi32>], vector<16xf32>,
      %add3A_589 = arith.constant 21 : i32
      %add3A_590 = vector.broadcast %add3A_589 : i32 to vector<16xi32>
      %add3A_591 = arith.addi %shift_left3A_32, %add3A_590 : vector<16xi32>
      %gather3A_592 = tpu.vector_load_idx %arg21[%add3A_591] : memref<1024xf32, #tpu.memory_space<vmem>>[vector<16xi32>], vector<16xf32>,
      %add3A_593 = arith.constant 21 : i32
      %add3A_594 = vector.broadcast %add3A_593 : i32 to vector<16xi32>
      %add3A_595 = arith.addi %shift_left3A_37, %add3A_594 : vector<16xi32>
      %gather3A_596 = tpu.vector_load_idx %arg22[%add3A_595] : memref<3840xf32, #tpu.memory_space<vmem>>[vector<16xi32>], vector<16xf32>,
      %mul3A_597 = arith.mulf %gather3A_587, %gather3A_587 : vector<16xf32>
      %add3A_598 = arith.addf %add3A_572, %mul3A_597 : vector<16xf32>
      %mul3A_599 = arith.mulf %gather3A_588, %gather3A_588 : vector<16xf32>
      %add3A_600 = arith.addf %add3A_574, %mul3A_599 : vector<16xf32>
      %mul3A_601 = arith.mulf %gather3A_587, %gather3A_588 : vector<16xf32>
      %add3A_602 = arith.addf %add3A_576, %mul3A_601 : vector<16xf32>
      %mul3A_603 = arith.mulf %gather3A_592, %gather3A_592 : vector<16xf32>
      %add3A_604 = arith.addf %add3A_578, %mul3A_603 : vector<16xf32>
      %mul3A_605 = arith.mulf %gather3A_587, %gather3A_592 : vector<16xf32>
      %add3A_606 = arith.addf %add3A_580, %mul3A_605 : vector<16xf32>
      %mul3A_607 = arith.mulf %gather3A_596, %gather3A_596 : vector<16xf32>
      %add3A_608 = arith.addf %add3A_582, %mul3A_607 : vector<16xf32>
      %mul3A_609 = arith.mulf %gather3A_587, %gather3A_596 : vector<16xf32>
      %add3A_610 = arith.addf %add3A_584, %mul3A_609 : vector<16xf32>
      %broadcast_in_dim3A_611 = arith.constant 22 : i32
      %broadcast_in_dim3A_612 = vector.broadcast %broadcast_in_dim3A_611 : i32 to vector<16xi32>
      %gather3A_613 = tpu.vector_load_idx %arg17[%add3A_29, %broadcast_in_dim3A_612] : memref<512x32xf32, #tpu.memory_space<vmem>>[vector<16xi32>, vector<16xi32>], vector<16xf32>,
      %gather3A_614 = tpu.vector_load_idx %arg18[%add3A_29, %broadcast_in_dim3A_612] : memref<512x32xf32, #tpu.memory_space<vmem>>[vector<16xi32>, vector<16xi32>], vector<16xf32>,
      %add3A_615 = arith.constant 22 : i32
      %add3A_616 = vector.broadcast %add3A_615 : i32 to vector<16xi32>
      %add3A_617 = arith.addi %shift_left3A_32, %add3A_616 : vector<16xi32>
      %gather3A_618 = tpu.vector_load_idx %arg21[%add3A_617] : memref<1024xf32, #tpu.memory_space<vmem>>[vector<16xi32>], vector<16xf32>,
      %add3A_619 = arith.constant 22 : i32
      %add3A_620 = vector.broadcast %add3A_619 : i32 to vector<16xi32>
      %add3A_621 = arith.addi %shift_left3A_37, %add3A_620 : vector<16xi32>
      %gather3A_622 = tpu.vector_load_idx %arg22[%add3A_621] : memref<3840xf32, #tpu.memory_space<vmem>>[vector<16xi32>], vector<16xf32>,
      %mul3A_623 = arith.mulf %gather3A_613, %gather3A_613 : vector<16xf32>
      %add3A_624 = arith.addf %add3A_598, %mul3A_623 : vector<16xf32>
      %mul3A_625 = arith.mulf %gather3A_614, %gather3A_614 : vector<16xf32>
      %add3A_626 = arith.addf %add3A_600, %mul3A_625 : vector<16xf32>
      %mul3A_627 = arith.mulf %gather3A_613, %gather3A_614 : vector<16xf32>
      %add3A_628 = arith.addf %add3A_602, %mul3A_627 : vector<16xf32>
      %mul3A_629 = arith.mulf %gather3A_618, %gather3A_618 : vector<16xf32>
      %add3A_630 = arith.addf %add3A_604, %mul3A_629 : vector<16xf32>
      %mul3A_631 = arith.mulf %gather3A_613, %gather3A_618 : vector<16xf32>
      %add3A_632 = arith.addf %add3A_606, %mul3A_631 : vector<16xf32>
      %mul3A_633 = arith.mulf %gather3A_622, %gather3A_622 : vector<16xf32>
      %add3A_634 = arith.addf %add3A_608, %mul3A_633 : vector<16xf32>
      %mul3A_635 = arith.mulf %gather3A_613, %gather3A_622 : vector<16xf32>
      %add3A_636 = arith.addf %add3A_610, %mul3A_635 : vector<16xf32>
      %broadcast_in_dim3A_637 = arith.constant 23 : i32
      %broadcast_in_dim3A_638 = vector.broadcast %broadcast_in_dim3A_637 : i32 to vector<16xi32>
      %gather3A_639 = tpu.vector_load_idx %arg17[%add3A_29, %broadcast_in_dim3A_638] : memref<512x32xf32, #tpu.memory_space<vmem>>[vector<16xi32>, vector<16xi32>], vector<16xf32>,
      %gather3A_640 = tpu.vector_load_idx %arg18[%add3A_29, %broadcast_in_dim3A_638] : memref<512x32xf32, #tpu.memory_space<vmem>>[vector<16xi32>, vector<16xi32>], vector<16xf32>,
      %add3A_641 = arith.constant 23 : i32
      %add3A_642 = vector.broadcast %add3A_641 : i32 to vector<16xi32>
      %add3A_643 = arith.addi %shift_left3A_32, %add3A_642 : vector<16xi32>
      %gather3A_644 = tpu.vector_load_idx %arg21[%add3A_643] : memref<1024xf32, #tpu.memory_space<vmem>>[vector<16xi32>], vector<16xf32>,
      %add3A_645 = arith.constant 23 : i32
      %add3A_646 = vector.broadcast %add3A_645 : i32 to vector<16xi32>
      %add3A_647 = arith.addi %shift_left3A_37, %add3A_646 : vector<16xi32>
      %gather3A_648 = tpu.vector_load_idx %arg22[%add3A_647] : memref<3840xf32, #tpu.memory_space<vmem>>[vector<16xi32>], vector<16xf32>,
      %mul3A_649 = arith.mulf %gather3A_639, %gather3A_639 : vector<16xf32>
      %add3A_650 = arith.addf %add3A_624, %mul3A_649 : vector<16xf32>
      %mul3A_651 = arith.mulf %gather3A_640, %gather3A_640 : vector<16xf32>
      %add3A_652 = arith.addf %add3A_626, %mul3A_651 : vector<16xf32>
      %mul3A_653 = arith.mulf %gather3A_639, %gather3A_640 : vector<16xf32>
      %add3A_654 = arith.addf %add3A_628, %mul3A_653 : vector<16xf32>
      %mul3A_655 = arith.mulf %gather3A_644, %gather3A_644 : vector<16xf32>
      %add3A_656 = arith.addf %add3A_630, %mul3A_655 : vector<16xf32>
      %mul3A_657 = arith.mulf %gather3A_639, %gather3A_644 : vector<16xf32>
      %add3A_658 = arith.addf %add3A_632, %mul3A_657 : vector<16xf32>
      %mul3A_659 = arith.mulf %gather3A_648, %gather3A_648 : vector<16xf32>
      %add3A_660 = arith.addf %add3A_634, %mul3A_659 : vector<16xf32>
      %mul3A_661 = arith.mulf %gather3A_639, %gather3A_648 : vector<16xf32>
      %add3A_662 = arith.addf %add3A_636, %mul3A_661 : vector<16xf32>
      %broadcast_in_dim3A_663 = arith.constant 24 : i32
      %broadcast_in_dim3A_664 = vector.broadcast %broadcast_in_dim3A_663 : i32 to vector<16xi32>
      %gather3A_665 = tpu.vector_load_idx %arg17[%add3A_29, %broadcast_in_dim3A_664] : memref<512x32xf32, #tpu.memory_space<vmem>>[vector<16xi32>, vector<16xi32>], vector<16xf32>,
      %gather3A_666 = tpu.vector_load_idx %arg18[%add3A_29, %broadcast_in_dim3A_664] : memref<512x32xf32, #tpu.memory_space<vmem>>[vector<16xi32>, vector<16xi32>], vector<16xf32>,
      %add3A_667 = arith.constant 24 : i32
      %add3A_668 = vector.broadcast %add3A_667 : i32 to vector<16xi32>
      %add3A_669 = arith.addi %shift_left3A_32, %add3A_668 : vector<16xi32>
      %gather3A_670 = tpu.vector_load_idx %arg21[%add3A_669] : memref<1024xf32, #tpu.memory_space<vmem>>[vector<16xi32>], vector<16xf32>,
      %add3A_671 = arith.constant 24 : i32
      %add3A_672 = vector.broadcast %add3A_671 : i32 to vector<16xi32>
      %add3A_673 = arith.addi %shift_left3A_37, %add3A_672 : vector<16xi32>
      %gather3A_674 = tpu.vector_load_idx %arg22[%add3A_673] : memref<3840xf32, #tpu.memory_space<vmem>>[vector<16xi32>], vector<16xf32>,
      %mul3A_675 = arith.mulf %gather3A_665, %gather3A_665 : vector<16xf32>
      %add3A_676 = arith.addf %add3A_650, %mul3A_675 : vector<16xf32>
      %mul3A_677 = arith.mulf %gather3A_666, %gather3A_666 : vector<16xf32>
      %add3A_678 = arith.addf %add3A_652, %mul3A_677 : vector<16xf32>
      %mul3A_679 = arith.mulf %gather3A_665, %gather3A_666 : vector<16xf32>
      %add3A_680 = arith.addf %add3A_654, %mul3A_679 : vector<16xf32>
      %mul3A_681 = arith.mulf %gather3A_670, %gather3A_670 : vector<16xf32>
      %add3A_682 = arith.addf %add3A_656, %mul3A_681 : vector<16xf32>
      %mul3A_683 = arith.mulf %gather3A_665, %gather3A_670 : vector<16xf32>
      %add3A_684 = arith.addf %add3A_658, %mul3A_683 : vector<16xf32>
      %mul3A_685 = arith.mulf %gather3A_674, %gather3A_674 : vector<16xf32>
      %add3A_686 = arith.addf %add3A_660, %mul3A_685 : vector<16xf32>
      %mul3A_687 = arith.mulf %gather3A_665, %gather3A_674 : vector<16xf32>
      %add3A_688 = arith.addf %add3A_662, %mul3A_687 : vector<16xf32>
      %broadcast_in_dim3A_689 = arith.constant 25 : i32
      %broadcast_in_dim3A_690 = vector.broadcast %broadcast_in_dim3A_689 : i32 to vector<16xi32>
      %gather3A_691 = tpu.vector_load_idx %arg17[%add3A_29, %broadcast_in_dim3A_690] : memref<512x32xf32, #tpu.memory_space<vmem>>[vector<16xi32>, vector<16xi32>], vector<16xf32>,
      %gather3A_692 = tpu.vector_load_idx %arg18[%add3A_29, %broadcast_in_dim3A_690] : memref<512x32xf32, #tpu.memory_space<vmem>>[vector<16xi32>, vector<16xi32>], vector<16xf32>,
      %add3A_693 = arith.constant 25 : i32
      %add3A_694 = vector.broadcast %add3A_693 : i32 to vector<16xi32>
      %add3A_695 = arith.addi %shift_left3A_32, %add3A_694 : vector<16xi32>
      %gather3A_696 = tpu.vector_load_idx %arg21[%add3A_695] : memref<1024xf32, #tpu.memory_space<vmem>>[vector<16xi32>], vector<16xf32>,
      %add3A_697 = arith.constant 25 : i32
      %add3A_698 = vector.broadcast %add3A_697 : i32 to vector<16xi32>
      %add3A_699 = arith.addi %shift_left3A_37, %add3A_698 : vector<16xi32>
      %gather3A_700 = tpu.vector_load_idx %arg22[%add3A_699] : memref<3840xf32, #tpu.memory_space<vmem>>[vector<16xi32>], vector<16xf32>,
      %mul3A_701 = arith.mulf %gather3A_691, %gather3A_691 : vector<16xf32>
      %add3A_702 = arith.addf %add3A_676, %mul3A_701 : vector<16xf32>
      %mul3A_703 = arith.mulf %gather3A_692, %gather3A_692 : vector<16xf32>
      %add3A_704 = arith.addf %add3A_678, %mul3A_703 : vector<16xf32>
      %mul3A_705 = arith.mulf %gather3A_691, %gather3A_692 : vector<16xf32>
      %add3A_706 = arith.addf %add3A_680, %mul3A_705 : vector<16xf32>
      %mul3A_707 = arith.mulf %gather3A_696, %gather3A_696 : vector<16xf32>
      %add3A_708 = arith.addf %add3A_682, %mul3A_707 : vector<16xf32>
      %mul3A_709 = arith.mulf %gather3A_691, %gather3A_696 : vector<16xf32>
      %add3A_710 = arith.addf %add3A_684, %mul3A_709 : vector<16xf32>
      %mul3A_711 = arith.mulf %gather3A_700, %gather3A_700 : vector<16xf32>
      %add3A_712 = arith.addf %add3A_686, %mul3A_711 : vector<16xf32>
      %mul3A_713 = arith.mulf %gather3A_691, %gather3A_700 : vector<16xf32>
      %add3A_714 = arith.addf %add3A_688, %mul3A_713 : vector<16xf32>
      %broadcast_in_dim3A_715 = arith.constant 26 : i32
      %broadcast_in_dim3A_716 = vector.broadcast %broadcast_in_dim3A_715 : i32 to vector<16xi32>
      %gather3A_717 = tpu.vector_load_idx %arg17[%add3A_29, %broadcast_in_dim3A_716] : memref<512x32xf32, #tpu.memory_space<vmem>>[vector<16xi32>, vector<16xi32>], vector<16xf32>,
      %gather3A_718 = tpu.vector_load_idx %arg18[%add3A_29, %broadcast_in_dim3A_716] : memref<512x32xf32, #tpu.memory_space<vmem>>[vector<16xi32>, vector<16xi32>], vector<16xf32>,
      %add3A_719 = arith.constant 26 : i32
      %add3A_720 = vector.broadcast %add3A_719 : i32 to vector<16xi32>
      %add3A_721 = arith.addi %shift_left3A_32, %add3A_720 : vector<16xi32>
      %gather3A_722 = tpu.vector_load_idx %arg21[%add3A_721] : memref<1024xf32, #tpu.memory_space<vmem>>[vector<16xi32>], vector<16xf32>,
      %add3A_723 = arith.constant 26 : i32
      %add3A_724 = vector.broadcast %add3A_723 : i32 to vector<16xi32>
      %add3A_725 = arith.addi %shift_left3A_37, %add3A_724 : vector<16xi32>
      %gather3A_726 = tpu.vector_load_idx %arg22[%add3A_725] : memref<3840xf32, #tpu.memory_space<vmem>>[vector<16xi32>], vector<16xf32>,
      %mul3A_727 = arith.mulf %gather3A_717, %gather3A_717 : vector<16xf32>
      %add3A_728 = arith.addf %add3A_702, %mul3A_727 : vector<16xf32>
      %mul3A_729 = arith.mulf %gather3A_718, %gather3A_718 : vector<16xf32>
      %add3A_730 = arith.addf %add3A_704, %mul3A_729 : vector<16xf32>
      %mul3A_731 = arith.mulf %gather3A_717, %gather3A_718 : vector<16xf32>
      %add3A_732 = arith.addf %add3A_706, %mul3A_731 : vector<16xf32>
      %mul3A_733 = arith.mulf %gather3A_722, %gather3A_722 : vector<16xf32>
      %add3A_734 = arith.addf %add3A_708, %mul3A_733 : vector<16xf32>
      %mul3A_735 = arith.mulf %gather3A_717, %gather3A_722 : vector<16xf32>
      %add3A_736 = arith.addf %add3A_710, %mul3A_735 : vector<16xf32>
      %mul3A_737 = arith.mulf %gather3A_726, %gather3A_726 : vector<16xf32>
      %add3A_738 = arith.addf %add3A_712, %mul3A_737 : vector<16xf32>
      %mul3A_739 = arith.mulf %gather3A_717, %gather3A_726 : vector<16xf32>
      %add3A_740 = arith.addf %add3A_714, %mul3A_739 : vector<16xf32>
      %broadcast_in_dim3A_741 = arith.constant 27 : i32
      %broadcast_in_dim3A_742 = vector.broadcast %broadcast_in_dim3A_741 : i32 to vector<16xi32>
      %gather3A_743 = tpu.vector_load_idx %arg17[%add3A_29, %broadcast_in_dim3A_742] : memref<512x32xf32, #tpu.memory_space<vmem>>[vector<16xi32>, vector<16xi32>], vector<16xf32>,
      %gather3A_744 = tpu.vector_load_idx %arg18[%add3A_29, %broadcast_in_dim3A_742] : memref<512x32xf32, #tpu.memory_space<vmem>>[vector<16xi32>, vector<16xi32>], vector<16xf32>,
      %add3A_745 = arith.constant 27 : i32
      %add3A_746 = vector.broadcast %add3A_745 : i32 to vector<16xi32>
      %add3A_747 = arith.addi %shift_left3A_32, %add3A_746 : vector<16xi32>
      %gather3A_748 = tpu.vector_load_idx %arg21[%add3A_747] : memref<1024xf32, #tpu.memory_space<vmem>>[vector<16xi32>], vector<16xf32>,
      %add3A_749 = arith.constant 27 : i32
      %add3A_750 = vector.broadcast %add3A_749 : i32 to vector<16xi32>
      %add3A_751 = arith.addi %shift_left3A_37, %add3A_750 : vector<16xi32>
      %gather3A_752 = tpu.vector_load_idx %arg22[%add3A_751] : memref<3840xf32, #tpu.memory_space<vmem>>[vector<16xi32>], vector<16xf32>,
      %mul3A_753 = arith.mulf %gather3A_743, %gather3A_743 : vector<16xf32>
      %add3A_754 = arith.addf %add3A_728, %mul3A_753 : vector<16xf32>
      %mul3A_755 = arith.mulf %gather3A_744, %gather3A_744 : vector<16xf32>
      %add3A_756 = arith.addf %add3A_730, %mul3A_755 : vector<16xf32>
      %mul3A_757 = arith.mulf %gather3A_743, %gather3A_744 : vector<16xf32>
      %add3A_758 = arith.addf %add3A_732, %mul3A_757 : vector<16xf32>
      %mul3A_759 = arith.mulf %gather3A_748, %gather3A_748 : vector<16xf32>
      %add3A_760 = arith.addf %add3A_734, %mul3A_759 : vector<16xf32>
      %mul3A_761 = arith.mulf %gather3A_743, %gather3A_748 : vector<16xf32>
      %add3A_762 = arith.addf %add3A_736, %mul3A_761 : vector<16xf32>
      %mul3A_763 = arith.mulf %gather3A_752, %gather3A_752 : vector<16xf32>
      %add3A_764 = arith.addf %add3A_738, %mul3A_763 : vector<16xf32>
      %mul3A_765 = arith.mulf %gather3A_743, %gather3A_752 : vector<16xf32>
      %add3A_766 = arith.addf %add3A_740, %mul3A_765 : vector<16xf32>
      %broadcast_in_dim3A_767 = arith.constant 28 : i32
      %broadcast_in_dim3A_768 = vector.broadcast %broadcast_in_dim3A_767 : i32 to vector<16xi32>
      %gather3A_769 = tpu.vector_load_idx %arg17[%add3A_29, %broadcast_in_dim3A_768] : memref<512x32xf32, #tpu.memory_space<vmem>>[vector<16xi32>, vector<16xi32>], vector<16xf32>,
      %gather3A_770 = tpu.vector_load_idx %arg18[%add3A_29, %broadcast_in_dim3A_768] : memref<512x32xf32, #tpu.memory_space<vmem>>[vector<16xi32>, vector<16xi32>], vector<16xf32>,
      %add3A_771 = arith.constant 28 : i32
      %add3A_772 = vector.broadcast %add3A_771 : i32 to vector<16xi32>
      %add3A_773 = arith.addi %shift_left3A_32, %add3A_772 : vector<16xi32>
      %gather3A_774 = tpu.vector_load_idx %arg21[%add3A_773] : memref<1024xf32, #tpu.memory_space<vmem>>[vector<16xi32>], vector<16xf32>,
      %add3A_775 = arith.constant 28 : i32
      %add3A_776 = vector.broadcast %add3A_775 : i32 to vector<16xi32>
      %add3A_777 = arith.addi %shift_left3A_37, %add3A_776 : vector<16xi32>
      %gather3A_778 = tpu.vector_load_idx %arg22[%add3A_777] : memref<3840xf32, #tpu.memory_space<vmem>>[vector<16xi32>], vector<16xf32>,
      %mul3A_779 = arith.mulf %gather3A_769, %gather3A_769 : vector<16xf32>
      %add3A_780 = arith.addf %add3A_754, %mul3A_779 : vector<16xf32>
      %mul3A_781 = arith.mulf %gather3A_770, %gather3A_770 : vector<16xf32>
      %add3A_782 = arith.addf %add3A_756, %mul3A_781 : vector<16xf32>
      %mul3A_783 = arith.mulf %gather3A_769, %gather3A_770 : vector<16xf32>
      %add3A_784 = arith.addf %add3A_758, %mul3A_783 : vector<16xf32>
      %mul3A_785 = arith.mulf %gather3A_774, %gather3A_774 : vector<16xf32>
      %add3A_786 = arith.addf %add3A_760, %mul3A_785 : vector<16xf32>
      %mul3A_787 = arith.mulf %gather3A_769, %gather3A_774 : vector<16xf32>
      %add3A_788 = arith.addf %add3A_762, %mul3A_787 : vector<16xf32>
      %mul3A_789 = arith.mulf %gather3A_778, %gather3A_778 : vector<16xf32>
      %add3A_790 = arith.addf %add3A_764, %mul3A_789 : vector<16xf32>
      %mul3A_791 = arith.mulf %gather3A_769, %gather3A_778 : vector<16xf32>
      %add3A_792 = arith.addf %add3A_766, %mul3A_791 : vector<16xf32>
      %broadcast_in_dim3A_793 = arith.constant 29 : i32
      %broadcast_in_dim3A_794 = vector.broadcast %broadcast_in_dim3A_793 : i32 to vector<16xi32>
      %gather3A_795 = tpu.vector_load_idx %arg17[%add3A_29, %broadcast_in_dim3A_794] : memref<512x32xf32, #tpu.memory_space<vmem>>[vector<16xi32>, vector<16xi32>], vector<16xf32>,
      %gather3A_796 = tpu.vector_load_idx %arg18[%add3A_29, %broadcast_in_dim3A_794] : memref<512x32xf32, #tpu.memory_space<vmem>>[vector<16xi32>, vector<16xi32>], vector<16xf32>,
      %add3A_797 = arith.constant 29 : i32
      %add3A_798 = vector.broadcast %add3A_797 : i32 to vector<16xi32>
      %add3A_799 = arith.addi %shift_left3A_32, %add3A_798 : vector<16xi32>
      %gather3A_800 = tpu.vector_load_idx %arg21[%add3A_799] : memref<1024xf32, #tpu.memory_space<vmem>>[vector<16xi32>], vector<16xf32>,
      %add3A_801 = arith.constant 29 : i32
      %add3A_802 = vector.broadcast %add3A_801 : i32 to vector<16xi32>
      %add3A_803 = arith.addi %shift_left3A_37, %add3A_802 : vector<16xi32>
      %gather3A_804 = tpu.vector_load_idx %arg22[%add3A_803] : memref<3840xf32, #tpu.memory_space<vmem>>[vector<16xi32>], vector<16xf32>,
      %mul3A_805 = arith.mulf %gather3A_795, %gather3A_795 : vector<16xf32>
      %add3A_806 = arith.addf %add3A_780, %mul3A_805 : vector<16xf32>
      %mul3A_807 = arith.mulf %gather3A_796, %gather3A_796 : vector<16xf32>
      %add3A_808 = arith.addf %add3A_782, %mul3A_807 : vector<16xf32>
      %mul3A_809 = arith.mulf %gather3A_795, %gather3A_796 : vector<16xf32>
      %add3A_810 = arith.addf %add3A_784, %mul3A_809 : vector<16xf32>
      %mul3A_811 = arith.mulf %gather3A_800, %gather3A_800 : vector<16xf32>
      %add3A_812 = arith.addf %add3A_786, %mul3A_811 : vector<16xf32>
      %mul3A_813 = arith.mulf %gather3A_795, %gather3A_800 : vector<16xf32>
      %add3A_814 = arith.addf %add3A_788, %mul3A_813 : vector<16xf32>
      %mul3A_815 = arith.mulf %gather3A_804, %gather3A_804 : vector<16xf32>
      %add3A_816 = arith.addf %add3A_790, %mul3A_815 : vector<16xf32>
      %mul3A_817 = arith.mulf %gather3A_795, %gather3A_804 : vector<16xf32>
      %add3A_818 = arith.addf %add3A_792, %mul3A_817 : vector<16xf32>
      %broadcast_in_dim3A_819 = arith.constant 30 : i32
      %broadcast_in_dim3A_820 = vector.broadcast %broadcast_in_dim3A_819 : i32 to vector<16xi32>
      %gather3A_821 = tpu.vector_load_idx %arg17[%add3A_29, %broadcast_in_dim3A_820] : memref<512x32xf32, #tpu.memory_space<vmem>>[vector<16xi32>, vector<16xi32>], vector<16xf32>,
      %gather3A_822 = tpu.vector_load_idx %arg18[%add3A_29, %broadcast_in_dim3A_820] : memref<512x32xf32, #tpu.memory_space<vmem>>[vector<16xi32>, vector<16xi32>], vector<16xf32>,
      %add3A_823 = arith.constant 30 : i32
      %add3A_824 = vector.broadcast %add3A_823 : i32 to vector<16xi32>
      %add3A_825 = arith.addi %shift_left3A_32, %add3A_824 : vector<16xi32>
      %gather3A_826 = tpu.vector_load_idx %arg21[%add3A_825] : memref<1024xf32, #tpu.memory_space<vmem>>[vector<16xi32>], vector<16xf32>,
      %add3A_827 = arith.constant 30 : i32
      %add3A_828 = vector.broadcast %add3A_827 : i32 to vector<16xi32>
      %add3A_829 = arith.addi %shift_left3A_37, %add3A_828 : vector<16xi32>
      %gather3A_830 = tpu.vector_load_idx %arg22[%add3A_829] : memref<3840xf32, #tpu.memory_space<vmem>>[vector<16xi32>], vector<16xf32>,
      %mul3A_831 = arith.mulf %gather3A_821, %gather3A_821 : vector<16xf32>
      %add3A_832 = arith.addf %add3A_806, %mul3A_831 : vector<16xf32>
      %mul3A_833 = arith.mulf %gather3A_822, %gather3A_822 : vector<16xf32>
      %add3A_834 = arith.addf %add3A_808, %mul3A_833 : vector<16xf32>
      %mul3A_835 = arith.mulf %gather3A_821, %gather3A_822 : vector<16xf32>
      %add3A_836 = arith.addf %add3A_810, %mul3A_835 : vector<16xf32>
      %mul3A_837 = arith.mulf %gather3A_826, %gather3A_826 : vector<16xf32>
      %add3A_838 = arith.addf %add3A_812, %mul3A_837 : vector<16xf32>
      %mul3A_839 = arith.mulf %gather3A_821, %gather3A_826 : vector<16xf32>
      %add3A_840 = arith.addf %add3A_814, %mul3A_839 : vector<16xf32>
      %mul3A_841 = arith.mulf %gather3A_830, %gather3A_830 : vector<16xf32>
      %add3A_842 = arith.addf %add3A_816, %mul3A_841 : vector<16xf32>
      %mul3A_843 = arith.mulf %gather3A_821, %gather3A_830 : vector<16xf32>
      %add3A_844 = arith.addf %add3A_818, %mul3A_843 : vector<16xf32>
      %broadcast_in_dim3A_845 = arith.constant 31 : i32
      %broadcast_in_dim3A_846 = vector.broadcast %broadcast_in_dim3A_845 : i32 to vector<16xi32>
      %gather3A_847 = tpu.vector_load_idx %arg17[%add3A_29, %broadcast_in_dim3A_846] : memref<512x32xf32, #tpu.memory_space<vmem>>[vector<16xi32>, vector<16xi32>], vector<16xf32>,
      %gather3A_848 = tpu.vector_load_idx %arg18[%add3A_29, %broadcast_in_dim3A_846] : memref<512x32xf32, #tpu.memory_space<vmem>>[vector<16xi32>, vector<16xi32>], vector<16xf32>,
      %add3A_849 = arith.constant 31 : i32
      %add3A_850 = vector.broadcast %add3A_849 : i32 to vector<16xi32>
      %add3A_851 = arith.addi %shift_left3A_32, %add3A_850 : vector<16xi32>
      %gather3A_852 = tpu.vector_load_idx %arg21[%add3A_851] : memref<1024xf32, #tpu.memory_space<vmem>>[vector<16xi32>], vector<16xf32>,
      %add3A_853 = arith.constant 31 : i32
      %add3A_854 = vector.broadcast %add3A_853 : i32 to vector<16xi32>
      %add3A_855 = arith.addi %shift_left3A_37, %add3A_854 : vector<16xi32>
      %gather3A_856 = tpu.vector_load_idx %arg22[%add3A_855] : memref<3840xf32, #tpu.memory_space<vmem>>[vector<16xi32>], vector<16xf32>,
      %mul3A_857 = arith.mulf %gather3A_847, %gather3A_847 : vector<16xf32>
      %add3A_858 = arith.addf %add3A_832, %mul3A_857 : vector<16xf32>
      %mul3A_859 = arith.mulf %gather3A_848, %gather3A_848 : vector<16xf32>
      %add3A_860 = arith.addf %add3A_834, %mul3A_859 : vector<16xf32>
      %mul3A_861 = arith.mulf %gather3A_847, %gather3A_848 : vector<16xf32>
      %add3A_862 = arith.addf %add3A_836, %mul3A_861 : vector<16xf32>
      %mul3A_863 = arith.mulf %gather3A_852, %gather3A_852 : vector<16xf32>
      %add3A_864 = arith.addf %add3A_838, %mul3A_863 : vector<16xf32>
      %mul3A_865 = arith.mulf %gather3A_847, %gather3A_852 : vector<16xf32>
      %add3A_866 = arith.addf %add3A_840, %mul3A_865 : vector<16xf32>
      %mul3A_867 = arith.mulf %gather3A_856, %gather3A_856 : vector<16xf32>
      %add3A_868 = arith.addf %add3A_842, %mul3A_867 : vector<16xf32>
      %mul3A_869 = arith.mulf %gather3A_847, %gather3A_856 : vector<16xf32>
      %add3A_870 = arith.addf %add3A_844, %mul3A_869 : vector<16xf32>
      %max3A = arith.constant 1.000000e-16 : f32
      %max3A_871 = vector.broadcast %max3A : f32 to vector<16xf32>
      %max3A_872 = arith.maximumf %add3A_858, %max3A_871 : vector<16xf32>
      %bitcast3A = vector.bitcast %max3A_872 : vector<16xf32> to vector<16xi32>
      %shift_right_arithmetic3A = arith.constant 1 : i32
      %shift_right_arithmetic3A_873 = vector.broadcast %shift_right_arithmetic3A : i32 to vector<16xi32>
      %shift_right_arithmetic3A_874 = arith.shrsi %bitcast3A, %shift_right_arithmetic3A_873 : vector<16xi32>
      %sub3A = arith.constant 1597463007 : i32
      %sub3A_875 = vector.broadcast %sub3A : i32 to vector<16xi32>
      %sub3A_876 = arith.subi %sub3A_875, %shift_right_arithmetic3A_874 : vector<16xi32>
      %bitcast3A_877 = vector.bitcast %sub3A_876 : vector<16xi32> to vector<16xf32>
      %mul3A_878 = arith.constant 5.000000e-01 : f32
      %mul3A_879 = vector.broadcast %mul3A_878 : f32 to vector<16xf32>
      %mul3A_880 = arith.mulf %max3A_872, %mul3A_879 : vector<16xf32>
      %mul3A_881 = arith.mulf %mul3A_880, %bitcast3A_877 : vector<16xf32>
      %mul3A_882 = arith.mulf %mul3A_881, %bitcast3A_877 : vector<16xf32>
      %sub3A_883 = arith.constant 1.500000e+00 : f32
      %sub3A_884 = vector.broadcast %sub3A_883 : f32 to vector<16xf32>
      %sub3A_885 = arith.subf %sub3A_884, %mul3A_882 : vector<16xf32>
      %mul3A_886 = arith.mulf %bitcast3A_877, %sub3A_885 : vector<16xf32>
      %mul3A_887 = arith.mulf %mul3A_880, %mul3A_886 : vector<16xf32>
      %mul3A_888 = arith.mulf %mul3A_887, %mul3A_886 : vector<16xf32>
      %sub3A_889 = arith.constant 1.500000e+00 : f32
      %sub3A_890 = vector.broadcast %sub3A_889 : f32 to vector<16xf32>
      %sub3A_891 = arith.subf %sub3A_890, %mul3A_888 : vector<16xf32>
      %mul3A_892 = arith.mulf %mul3A_886, %sub3A_891 : vector<16xf32>
      %mul3A_893 = arith.mulf %mul3A_880, %mul3A_892 : vector<16xf32>
      %mul3A_894 = arith.mulf %mul3A_893, %mul3A_892 : vector<16xf32>
      %sub3A_895 = arith.constant 1.500000e+00 : f32
      %sub3A_896 = vector.broadcast %sub3A_895 : f32 to vector<16xf32>
      %sub3A_897 = arith.subf %sub3A_896, %mul3A_894 : vector<16xf32>
      %mul3A_898 = arith.mulf %mul3A_892, %sub3A_897 : vector<16xf32>
      %mul3A_899 = arith.mulf %add3A_862, %mul3A_898 : vector<16xf32>
      %max3A_900 = arith.constant 1.000000e-16 : f32
      %max3A_901 = vector.broadcast %max3A_900 : f32 to vector<16xf32>
      %max3A_902 = arith.maximumf %add3A_860, %max3A_901 : vector<16xf32>
      %bitcast3A_903 = vector.bitcast %max3A_902 : vector<16xf32> to vector<16xi32>
      %shift_right_arithmetic3A_904 = arith.constant 1 : i32
      %shift_right_arithmetic3A_905 = vector.broadcast %shift_right_arithmetic3A_904 : i32 to vector<16xi32>
      %shift_right_arithmetic3A_906 = arith.shrsi %bitcast3A_903, %shift_right_arithmetic3A_905 : vector<16xi32>
      %sub3A_907 = arith.constant 1597463007 : i32
      %sub3A_908 = vector.broadcast %sub3A_907 : i32 to vector<16xi32>
      %sub3A_909 = arith.subi %sub3A_908, %shift_right_arithmetic3A_906 : vector<16xi32>
      %bitcast3A_910 = vector.bitcast %sub3A_909 : vector<16xi32> to vector<16xf32>
      %mul3A_911 = arith.constant 5.000000e-01 : f32
      %mul3A_912 = vector.broadcast %mul3A_911 : f32 to vector<16xf32>
      %mul3A_913 = arith.mulf %max3A_902, %mul3A_912 : vector<16xf32>
      %mul3A_914 = arith.mulf %mul3A_913, %bitcast3A_910 : vector<16xf32>
      %mul3A_915 = arith.mulf %mul3A_914, %bitcast3A_910 : vector<16xf32>
      %sub3A_916 = arith.constant 1.500000e+00 : f32
      %sub3A_917 = vector.broadcast %sub3A_916 : f32 to vector<16xf32>
      %sub3A_918 = arith.subf %sub3A_917, %mul3A_915 : vector<16xf32>
      %mul3A_919 = arith.mulf %bitcast3A_910, %sub3A_918 : vector<16xf32>
      %mul3A_920 = arith.mulf %mul3A_913, %mul3A_919 : vector<16xf32>
      %mul3A_921 = arith.mulf %mul3A_920, %mul3A_919 : vector<16xf32>
      %sub3A_922 = arith.constant 1.500000e+00 : f32
      %sub3A_923 = vector.broadcast %sub3A_922 : f32 to vector<16xf32>
      %sub3A_924 = arith.subf %sub3A_923, %mul3A_921 : vector<16xf32>
      %mul3A_925 = arith.mulf %mul3A_919, %sub3A_924 : vector<16xf32>
      %mul3A_926 = arith.mulf %mul3A_913, %mul3A_925 : vector<16xf32>
      %mul3A_927 = arith.mulf %mul3A_926, %mul3A_925 : vector<16xf32>
      %sub3A_928 = arith.constant 1.500000e+00 : f32
      %sub3A_929 = vector.broadcast %sub3A_928 : f32 to vector<16xf32>
      %sub3A_930 = arith.subf %sub3A_929, %mul3A_927 : vector<16xf32>
      %mul3A_931 = arith.mulf %mul3A_925, %sub3A_930 : vector<16xf32>
      %mul3A_932 = arith.mulf %mul3A_899, %mul3A_931 : vector<16xf32>
      %mul3A_933 = arith.mulf %add3A_866, %mul3A_898 : vector<16xf32>
      %max3A_934 = arith.constant 1.000000e-16 : f32
      %max3A_935 = vector.broadcast %max3A_934 : f32 to vector<16xf32>
      %max3A_936 = arith.maximumf %add3A_864, %max3A_935 : vector<16xf32>
      %bitcast3A_937 = vector.bitcast %max3A_936 : vector<16xf32> to vector<16xi32>
      %shift_right_arithmetic3A_938 = arith.constant 1 : i32
      %shift_right_arithmetic3A_939 = vector.broadcast %shift_right_arithmetic3A_938 : i32 to vector<16xi32>
      %shift_right_arithmetic3A_940 = arith.shrsi %bitcast3A_937, %shift_right_arithmetic3A_939 : vector<16xi32>
      %sub3A_941 = arith.constant 1597463007 : i32
      %sub3A_942 = vector.broadcast %sub3A_941 : i32 to vector<16xi32>
      %sub3A_943 = arith.subi %sub3A_942, %shift_right_arithmetic3A_940 : vector<16xi32>
      %bitcast3A_944 = vector.bitcast %sub3A_943 : vector<16xi32> to vector<16xf32>
      %mul3A_945 = arith.constant 5.000000e-01 : f32
      %mul3A_946 = vector.broadcast %mul3A_945 : f32 to vector<16xf32>
      %mul3A_947 = arith.mulf %max3A_936, %mul3A_946 : vector<16xf32>
      %mul3A_948 = arith.mulf %mul3A_947, %bitcast3A_944 : vector<16xf32>
      %mul3A_949 = arith.mulf %mul3A_948, %bitcast3A_944 : vector<16xf32>
      %sub3A_950 = arith.constant 1.500000e+00 : f32
      %sub3A_951 = vector.broadcast %sub3A_950 : f32 to vector<16xf32>
      %sub3A_952 = arith.subf %sub3A_951, %mul3A_949 : vector<16xf32>
      %mul3A_953 = arith.mulf %bitcast3A_944, %sub3A_952 : vector<16xf32>
      %mul3A_954 = arith.mulf %mul3A_947, %mul3A_953 : vector<16xf32>
      %mul3A_955 = arith.mulf %mul3A_954, %mul3A_953 : vector<16xf32>
      %sub3A_956 = arith.constant 1.500000e+00 : f32
      %sub3A_957 = vector.broadcast %sub3A_956 : f32 to vector<16xf32>
      %sub3A_958 = arith.subf %sub3A_957, %mul3A_955 : vector<16xf32>
      %mul3A_959 = arith.mulf %mul3A_953, %sub3A_958 : vector<16xf32>
      %mul3A_960 = arith.mulf %mul3A_947, %mul3A_959 : vector<16xf32>
      %mul3A_961 = arith.mulf %mul3A_960, %mul3A_959 : vector<16xf32>
      %sub3A_962 = arith.constant 1.500000e+00 : f32
      %sub3A_963 = vector.broadcast %sub3A_962 : f32 to vector<16xf32>
      %sub3A_964 = arith.subf %sub3A_963, %mul3A_961 : vector<16xf32>
      %mul3A_965 = arith.mulf %mul3A_959, %sub3A_964 : vector<16xf32>
      %mul3A_966 = arith.mulf %mul3A_933, %mul3A_965 : vector<16xf32>
      %mul3A_967 = arith.mulf %add3A_870, %mul3A_898 : vector<16xf32>
      %max3A_968 = arith.constant 1.000000e-16 : f32
      %max3A_969 = vector.broadcast %max3A_968 : f32 to vector<16xf32>
      %max3A_970 = arith.maximumf %add3A_868, %max3A_969 : vector<16xf32>
      %bitcast3A_971 = vector.bitcast %max3A_970 : vector<16xf32> to vector<16xi32>
      %shift_right_arithmetic3A_972 = arith.constant 1 : i32
      %shift_right_arithmetic3A_973 = vector.broadcast %shift_right_arithmetic3A_972 : i32 to vector<16xi32>
      %shift_right_arithmetic3A_974 = arith.shrsi %bitcast3A_971, %shift_right_arithmetic3A_973 : vector<16xi32>
      %sub3A_975 = arith.constant 1597463007 : i32
      %sub3A_976 = vector.broadcast %sub3A_975 : i32 to vector<16xi32>
      %sub3A_977 = arith.subi %sub3A_976, %shift_right_arithmetic3A_974 : vector<16xi32>
      %bitcast3A_978 = vector.bitcast %sub3A_977 : vector<16xi32> to vector<16xf32>
      %mul3A_979 = arith.constant 5.000000e-01 : f32
      %mul3A_980 = vector.broadcast %mul3A_979 : f32 to vector<16xf32>
      %mul3A_981 = arith.mulf %max3A_970, %mul3A_980 : vector<16xf32>
      %mul3A_982 = arith.mulf %mul3A_981, %bitcast3A_978 : vector<16xf32>
      %mul3A_983 = arith.mulf %mul3A_982, %bitcast3A_978 : vector<16xf32>
      %sub3A_984 = arith.constant 1.500000e+00 : f32
      %sub3A_985 = vector.broadcast %sub3A_984 : f32 to vector<16xf32>
      %sub3A_986 = arith.subf %sub3A_985, %mul3A_983 : vector<16xf32>
      %mul3A_987 = arith.mulf %bitcast3A_978, %sub3A_986 : vector<16xf32>
      %mul3A_988 = arith.mulf %mul3A_981, %mul3A_987 : vector<16xf32>
      %mul3A_989 = arith.mulf %mul3A_988, %mul3A_987 : vector<16xf32>
      %sub3A_990 = arith.constant 1.500000e+00 : f32
      %sub3A_991 = vector.broadcast %sub3A_990 : f32 to vector<16xf32>
      %sub3A_992 = arith.subf %sub3A_991, %mul3A_989 : vector<16xf32>
      %mul3A_993 = arith.mulf %mul3A_987, %sub3A_992 : vector<16xf32>
      %mul3A_994 = arith.mulf %mul3A_981, %mul3A_993 : vector<16xf32>
      %mul3A_995 = arith.mulf %mul3A_994, %mul3A_993 : vector<16xf32>
      %sub3A_996 = arith.constant 1.500000e+00 : f32
      %sub3A_997 = vector.broadcast %sub3A_996 : f32 to vector<16xf32>
      %sub3A_998 = arith.subf %sub3A_997, %mul3A_995 : vector<16xf32>
      %mul3A_999 = arith.mulf %mul3A_993, %sub3A_998 : vector<16xf32>
      %mul3A_1000 = arith.mulf %mul3A_967, %mul3A_999 : vector<16xf32>
      %get3A_1001 = arith.index_cast %mul3A_28 : i32 to index
      %get3A_1002 = tpu.vector_load %arg19[%get3A_1001] {strides = array<i32>} : memref<512xf32, #tpu.memory_space<vmem>>, vector<16xf32>,
      %get3A_1003 = arith.index_cast %mul3A_28 : i32 to index
      %get3A_1004 = tpu.vector_load %arg20[%get3A_1003] {strides = array<i32>} : memref<512xf32, #tpu.memory_space<vmem>>, vector<16xf32>,
      %mul3A_1005 = arith.constant 2.500000e+00 : f32
      %mul3A_1006 = vector.broadcast %mul3A_1005 : f32 to vector<16xf32>
      %mul3A_1007 = arith.mulf %mul3A_932, %mul3A_1006 : vector<16xf32>
      %add3A_1008 = arith.constant 2.750000e+00 : f32
      %add3A_1009 = vector.broadcast %add3A_1008 : f32 to vector<16xf32>
      %add3A_1010 = arith.addf %mul3A_1007, %add3A_1009 : vector<16xf32>
      %add3A_1011 = arith.addf %add3A_1010, %get3A_1002 : vector<16xf32>
      %add3A_1012 = arith.addf %add3A_1011, %get3A_1004 : vector<16xf32>
      %add3A_1013 = arith.addf %add3A_1012, %mul3A_966 : vector<16xf32>
      %add3A_1014 = arith.addf %add3A_1013, %mul3A_1000 : vector<16xf32>
      %swap3A = arith.index_cast %mul3A_28 : i32 to index
      %swap3A_1015 = tpu.vector_load %arg23[%swap3A] {strides = array<i32>} : memref<512xf32, #tpu.memory_space<vmem>>, vector<16xf32>,
      tpu.vector_store %arg23[%swap3A], %add3A_1014 {strides = array<i32>} : memref<512xf32, #tpu.memory_space<vmem>>, vector<16xf32>,
    }
    %scan3A_25 = arith.constant 32 : i32
    "tpu.region"() ({
      %run_scoped3A = tpu.sem_alloc : memref<!tpu.dma_semaphore, #tpu.memory_space<semaphore_mem>>
      %dma_start3A_26 = tpu.memref_slice %arg12[%mul3A_2] : memref<16384xf32, #tpu.memory_space<hbm>> -> memref<512xf32, #tpu.memory_space<hbm>>
      %dma_start3A_27 = tpu.memref_slice %arg12[%mul3A_2] : memref<16384xf32, #tpu.memory_space<hbm>> -> memref<512xf32, #tpu.memory_space<hbm>>
      tpu.enqueue_dma source(%arg23 : memref<512xf32, #tpu.memory_space<vmem>>) target(%dma_start3A_27 : memref<512xf32, #tpu.memory_space<hbm>>) target_semaphore(%run_scoped3A : memref<!tpu.dma_semaphore, #tpu.memory_space<semaphore_mem>>)
      %dma_wait3A_28 = tpu.memref_slice %arg12[%mul3A_2] : memref<16384xf32, #tpu.memory_space<hbm>> -> memref<512xf32, #tpu.memory_space<hbm>>
      %dma_wait3A_29 = tpu.memref_slice %arg12[%mul3A_2] : memref<16384xf32, #tpu.memory_space<hbm>> -> memref<512xf32, #tpu.memory_space<hbm>>
      tpu.wait_dma2 semaphore(%run_scoped3A : memref<!tpu.dma_semaphore, #tpu.memory_space<semaphore_mem>>) src(%arg23 : memref<512xf32, #tpu.memory_space<vmem>>) dst(%dma_wait3A_29 : memref<512xf32, #tpu.memory_space<hbm>>)
      tpu.yield
    }) : () -> ()
    return
  }
}

</mosaic_0001>

<sc_bundles>
// kernel: kernel.3.cloned.1.call-start
scs
__scs_entry_jumppad:
0x0: {  	(pc) =	sbr.rel $0x88, $3  }
0x1: {  	(tag) =	ssettag $0x0;
	lr =	simm.s32 $0x1  }
0x2: {  	[smem:$0x3F97] =	sst lr;
	_ =	strace $0xD0000000  }
0x3: {  	_ = 	snop  }
0x4: {  	_ = 	snop  }
0x5: {  	_ = 	snop  }
0x6: {  	_ = 	snop  }
0x7: {  	_ = 	snop  }
__scs_overlays_trampoline_lowered:
0x8: {  	[smem:$0x3FA6] =	sst s0  }
0x9: {  	[smem:$0x3FA7] =	sst s1  }
0xa: {  	[smem:$0x3FA8] =	sst s2  }
0xb: {  	[smem:$0x3FA9] =	sst s3  }
0xc: {  	[smem:$0x3FAA] =	sst s4  }
0xd: {  	[smem:$0x3FAB] =	sst s5  }
0xe: {  	[smem:$0x3FAC] =	sst s6  }
0xf: {  	[smem:$0x3FAD] =	sst s7  }
0x10: {  	[smem:$0x3FAE] =	sst s8  }
0x11: {  	[smem:$0x3FAF] =	sst s9;
	s0 =	simm.s32 @!p0 $0x0  }
0x12: {  	s1 =	sld [smem:$0x3F95];
	s0 =	simm.s32 @p0 $0x1  }
0x13: {  	[smem:$0x3FB0] =	sst s0;
	s0 =	simm.s32 @!p1 $0x0  }
0x14: {  	s2 =	sld [smem:$0x3F94];
	s0 =	simm.s32 @p1 $0x1  }
0x15: {  	[smem:$0x3FB1] =	sst s0;
	s0 =	simm.s32 @!p2 $0x0  }
0x16: {  	s3 =	sld [smem:$0x3FDB];
	s0 =	simm.s32 @p2 $0x1  }
0x17: {  	s4 =	simm.s32 $0x1BF5;
	[smem:$0x3FB3] =	sst s0  }
0x18: {  	s0 =	sld [smem:$0x3F96];
	_ =	swait.ge [sflag:s4], $0x0  }
0x19: {  	s7 =	sld [smem:$0x3F97]  }
0x1a: {  	s8 =	sadd.s32 $0xFFFFE003, lr  }
0x1b: {  	s9 =	sadd.s32 $0xFFFFFEF7, lr;
	s5 =	simm.s32 $0xFFFFFFFF;
	p2 =	slt.u32 s8, $0xFFFFF086  }
0x1c: {  	p1 =	slt.u32 s9, $0xF7A;
	s5 =	simm.s32 @!p2 $0x0  }
0x1d: {  	s5 =	simm.s32 @p1 $0x1;
	p0 =	seq.s32 s7, s2  }
0x1e: {  	s7 =	smul.u32 @!p0 $0xF7A, s2;
	p2 =	seq.s32 @!p0 s5, $0x0  }
0x1f: {  	s9 =	smul.u32 $0xF7A, s1;
	s8 =	simm.s32 @!p0 $0x1BF5;
	p2 =	por !p2, p0  }
0x20: {  	[sflag:s8] =	ssyncset.s32 @!p0 $0xFFFFF086;
	s6 =	sadd.s32 @!p0 s3, s7;
	s7 =	simm.s32 @!p0 $0x108  }
0x21: {  	s3 =	sadd.s32 s3, s9;
	s6 =	sadd.s32 @!p0 $0x88, s6;
	s7 =	simm.s32 @p2 $0x1082  }
0x22: {  	[simem:s7], [sflag:s8] =	dma.local @!p0 [hbm:s6], $0xF7A  }
0x23: {  	s9 =	sor.u32 $0xD0000000, s2;
	s6 =	simm.s32 $0x108;
	_ =	swait.ge @!p0 [sflag:s8], $0x0  }
0x24: {  	s3 =	sadd.s32 $0x88, s3;
	s6 =	simm.s32 @!p1 $0x1082;
	[sflag:s4] =	ssyncset.s32 $0xFFFFF086  }
0x25: {  	[simem:s6], [sflag:s4] =	dma.local [hbm:s3], $0xF7A  }
0x26: {  	[smem:$0x3F97] =	sst s1;
	(tag) =	ssettag s2;
	_ =	strace s9  }
0x27: {  	s1 =	sld [smem:$0x3FA7]  }
0x28: {  	s2 =	sld [smem:$0x3FA8]  }
0x29: {  	s4 =	sld [smem:$0x3FAA]  }
0x2a: {  	p0 =	seq.s32 s5, $0x0;
	s5 =	sld [smem:$0x3FAB]  }
0x2b: {  	s6 =	sld [smem:$0x3FAC]  }
0x2c: {  	s7 =	sld [smem:$0x3FAD]  }
0x2d: {  	s3 =	simm.s32 $0x108;
	s8 =	sld [smem:$0x3FAE]  }
0x2e: {  	s3 =	simm.s32 @!p0 $0x1082;
	s9 =	sld [smem:$0x3FAF]  }
0x2f: {  	lr =	sadd.s32 s0, s3;
	s0 =	sld [smem:$0x3FA6]  }
0x30: {  	s3 =	sld [smem:$0x3FA9]  }
0x31: {  	[smem:$0x3FB2] =	sst s10  }
0x32: {  	s10 =	sld [smem:$0x3FB0];
	_ =	sdelay $0x3  }
0x33: {  	p0 =	seq.s32 s10, $0x1;
	s10 =	sld [smem:$0x3FB2];
	_ =	sdelay $0x3  }
0x34: {  	[smem:$0x3FB2] =	sst s10  }
0x35: {  	s10 =	sld [smem:$0x3FB1];
	_ =	sdelay $0x3  }
0x36: {  	p1 =	seq.s32 s10, $0x1;
	s10 =	sld [smem:$0x3FB2];
	_ =	sdelay $0x3  }
0x37: {  	[smem:$0x3FB2] =	sst s10  }
0x38: {  	s10 =	sld [smem:$0x3FB3]  }
0x39: {  	_ = 	snop;
	(pc) =	sbr.ind lr, $3  }
0x3a: {  	_ = 	snop  }
0x3b: {  	_ = 	snop  }
0x3c: {  	p2 =	seq.s32 s10, $0x1;
	s10 =	sld [smem:$0x3FB2]  }
0x3d: {  	_ =	shalt  }
0x3e: {  	_ =	shalt  }
0x3f: {  	_ =	shalt  }
0x40: {  	_ =	shalt  }
0x41: {  	_ =	shalt  }
0x42: {  	_ =	shalt  }
0x43: {  	_ =	shalt  }
0x44: {  	_ =	shalt  }
0x45: {  	_ =	shalt  }
0x46: {  	_ =	shalt  }
0x47: {  	_ =	shalt  }
0x48: {  	_ =	shalt  }
0x49: {  	_ =	shalt  }
0x4a: {  	_ =	shalt  }
0x4b: {  	_ =	shalt  }
0x4c: {  	_ =	shalt  }
0x4d: {  	_ =	shalt  }
0x4e: {  	_ =	shalt  }
0x4f: {  	_ =	shalt  }
0x50: {  	_ =	shalt  }
0x51: {  	_ =	shalt  }
0x52: {  	_ =	shalt  }
0x53: {  	_ =	shalt  }
0x54: {  	_ =	shalt  }
0x55: {  	_ =	shalt  }
0x56: {  	_ =	shalt  }
0x57: {  	_ =	shalt  }
0x58: {  	_ =	shalt  }
0x59: {  	_ =	shalt  }
0x5a: {  	_ =	shalt  }
0x5b: {  	_ =	shalt  }
0x5c: {  	_ =	shalt  }
0x5d: {  	_ =	shalt  }
0x5e: {  	_ =	shalt  }
0x5f: {  	_ =	shalt  }
0x60: {  	_ =	shalt  }
0x61: {  	_ =	shalt  }
0x62: {  	_ =	shalt  }
0x63: {  	_ =	shalt  }
0x64: {  	_ =	shalt  }
0x65: {  	_ =	shalt  }
0x66: {  	_ =	shalt  }
0x67: {  	_ =	shalt  }
0x68: {  	_ =	shalt  }
0x69: {  	_ =	shalt  }
0x6a: {  	_ =	shalt  }
0x6b: {  	_ =	shalt  }
0x6c: {  	_ =	shalt  }
0x6d: {  	_ =	shalt  }
0x6e: {  	_ =	shalt  }
0x6f: {  	_ =	shalt  }
0x70: {  	_ =	shalt  }
0x71: {  	_ =	shalt  }
0x72: {  	_ =	shalt  }
0x73: {  	_ =	shalt  }
0x74: {  	_ =	shalt  }
0x75: {  	_ =	shalt  }
0x76: {  	_ =	shalt  }
0x77: {  	_ =	shalt  }
0x78: {  	_ =	shalt  }
0x79: {  	_ =	shalt  }
0x7a: {  	_ =	shalt  }
0x7b: {  	_ =	shalt  }
0x7c: {  	_ =	shalt  }
0x7d: {  	_ =	shalt  }
0x7e: {  	_ =	shalt  }
0x7f: {  	_ =	shalt  }
0x80: {  	_ =	shalt  }
0x81: {  	_ =	shalt  }
0x82: {  	_ =	shalt  }
0x83: {  	_ =	shalt  }
0x84: {  	_ =	shalt  }
0x85: {  	_ =	shalt  }
0x86: {  	_ =	shalt  }
0x87: {  	_ =	shalt  }
.Lfunc_end0:
.L_simem_size_0:
called_computation_lowered:
.L_overlay_start_0:
0x88: {  	s2 =	sld [smem:$0x3FD9]  }
0x89: {  	s3 =	sld [smem:$0x3FFE];
	_ =	sdelay $0x1  }
0x8a: {  	s1 =	srdreg.scid  }
0x8b: {  	s0 =	sand.u32 $0x1, s1  }
0x8c: {  	s17 =	sshll.u32 s0, $0xA;
	s2 =	sadd.s32 s3, s2  }
0x8d: {  	s2 =	sadd.s32 s2, s17  }
0x8e: {  	[smem:$0x3FBE] =	sst s2  }
0x8f: {  	_ = 	snop  }
0x90: {  	s2 =	sld [smem:$0x3FC9]  }
0x91: {  	s18 =	sld [smem:$0x3FC8]  }
0x92: {  	s4 =	sld [smem:$0x3FC7]  }
0x93: {  	s5 =	sld [smem:$0x3FC6]  }
0x94: {  	s6 =	sld [smem:$0x3FD0];
	(tm) =	ssettm $0x1  }
0x95: {  	s7 =	sld [smem:$0x3FFB];
	_ =	sdelay $0x3  }
0x96: {  	_ =	strace s7  }
0x97: {  	s7 =	sld [smem:$0x3FFC];
	_ =	sdelay $0x3  }
0x98: {  	_ =	strace s7  }
0x99: {  	s7 =	sld [smem:$0x3FFD];
	_ =	sdelay $0x3  }
0x9a: {  	_ =	strace s7  }
0x9b: {  	_ =	strace $0x8FFFFFFF  }
0x9c: {  	s19 =	sld [smem:$0x3FDB];
	_ =	sdelay $0x1  }
0x9d: {  	s8 =	simm.s32 $_scs_section_size  }
0x9e: {  	s9 =	simm.s32 $_size__tile_overlayer_lowered;
	s10 =	simm.s32 $_tile_overlayer_lowered  }
0x9f: {  	s22 =	simm.s32 $0x1BFF;
	s21 =	sshll.u32 s10, $0x1;
	s7 =	sadd.s32 s8, s19  }
0xa0: {  	s11 =	simm.s32 $0x0;
	s20 =	sshll.u32 s9, $0x1;
	s9 =	sadd.s32 s21, s7  }
0xa1: {  	[timem:s11], [sflag:s22] =	dma.local [hbm:s9], s20  }
0xa2: {  	_ =	swait.ge [sflag:s22], s20  }
0xa3: {  	s8 =	ssub.s32 $0x0, s20;
	[sflag:s22] =	ssyncset.done $0x0  }
0xa4: {  	[sflag:s22] =	ssyncadd.s32 s8;
	_ =	sdelay $0x1  }
0xa5: {  	s23 =	simm.s32 $0x1B8B  }
0xa6: {  	_ =	swait.ge [sflag:s23], $0x1  }
0xa7: {  	[sflag:s23] =	ssyncset.done $0x0  }
0xa8: {  	s25 =	simm.s32 $0x1B8E;
	s24 =	sld [smem:$0x3FFE];
	[sflag:s23] =	ssyncadd.s32 $0xFFFFFFFF  }
0xa9: {  	s26 =	simm.s32 $execute0_lowered;
	[smem:$0x3FD2] =	sst s25  }
0xaa: {  	s9 =	sshll.u32 s26, $0x1;
	_ =	strace $0x80000046;
	[dreg:$0x1] =	wrdreg $0xFFFFFFFF  }
0xab: {  	s28 =	simm.s32 $_size_execute0_lowered;
	s7 =	sadd.s32 s7, s9;
	[dreg:$0x0] =	wrdreg $0x0  }
0xac: {  	s9 =	sshll.u32 s28, $0x1;
	[dreg:$0x2] =	wrdreg s7  }
0xad: {  	[dreg:$0x3] =	wrdreg s9  }
0xae: {  	[dreg:$0x4] =	wrdreg $0xC0  }
0xaf: {  	_ =	task [dreg:s11], $0x5FFFF  }
0xb0: {  	[dreg:$0x1] =	wrdreg $0xFFFFFFFF  }
0xb1: {  	[dreg:$0x0] =	wrdreg $0x60  }
0xb2: {  	[dreg:$0x2] =	wrdreg s2  }
0xb3: {  	[dreg:$0x3] =	wrdreg s18  }
0xb4: {  	[dreg:$0x4] =	wrdreg s4  }
0xb5: {  	[dreg:$0x5] =	wrdreg s5  }
0xb6: {  	[dreg:$0x6] =	wrdreg s24  }
0xb7: {  	[dreg:$0x7] =	wrdreg s6  }
0xb8: {  	[dreg:$0x8] =	wrdreg $0x9  }
0xb9: {  	_ =	task.clear_ibuf [dreg:s11], $0x9FFFF;
	_ =	strace $0x90000046  }
0xba: {  	s29 =	simm.s32 $0x9;
	_ =	strace $0x80000048  }
0xbb: {  	_ =	swait.ge [sflag:s29], $0x1  }
0xbc: {  	[sflag:s29] =	ssyncadd.s32 $0xFFFFFFFF  }
0xbd: {  	_ =	strace $0x90000048  }
0xbe: {  	_ =	sfence  }
0xbf: {  	s30 =	sld [smem:$0x0];
	_ =	sdelay $0x2  }
0xc0: {  	s31 =	sshll.u32 s1, $0xD;
	s1 =	sshrl.u32 s1, $0x2  }
0xc1: {  	s3 =	sand.u32 $0x4000, s31;
	s1 =	sadd.s32 s1, s30  }
0xc2: {  	s0 =	sor.u32 s3, s0;
	s1 =	sshll.u32 s1, $0x11  }
0xc3: {  	s0 =	sor.u32 s1, s0  }
0xc4: {  	s0 =	sadd.s32 $0x8F2B, s0  }
0xc5: {  	[sflag:s0] =	ssyncadd.remote.s32 $0x1  }
0xc6: {  	_ =	sfence.sel $0xFFFF  }
0xc7: {  	[dreg:$0x0] =	wrdreg $0xFFFFFFFF;
	(pc) =	sbr.abs _section_cstart, $3  }
0xc8: {  	[dreg:$0x1] =	wrdreg $0xFFFFFFFF  }
0xc9: {  	_ =	task.clear_ibuf [dreg:s11], $0x2FFFF;
	_ =	strace $0x9FFFFFFF  }
0xca: {  	(tm) =	ssettm $0x7FFFFFFF  }
0xcb: {  	_ =	shalt  }
tec
execute0_lowered:
.L_overlay_start_1:
0x0: {  	(tag) =	ssettag $0x1  }
0x1: {  	s9 =	rddreg [dreg:$0x0]  }
0x2: {  	s10 =	rddreg [dreg:$0x1]  }
0x3: {  	s11 =	rddreg [dreg:$0x2]  }
0x4: {  	s12 =	rddreg [dreg:$0x3]  }
0x5: {  	s8 =	rddreg [dreg:$0x4]  }
0x6: {  	s13 =	rddreg [dreg:$0x5]  }
0x7: {  	s0 =	rddreg [dreg:$0x6]  }
0x8: {  	s1 =	simm.s32 $0x0;
	s4 =	srdreg.scid;
	s18 =	simm.s32 $0x4800  }
0x9: {  	s19 =	simm.s32 $0x8C00;
	s20 =	simm.s32 $0x9000;
	s21 =	simm.s32 $0x1  }
0xa: {  	s22 =	simm.s32 $0x9F00;
	s23 =	simm.s32 $0x0;
	s2 =	sadd.s32 $0xF42800, s8  }
0xb: {  	[smem:$0x7FF] =	sst s1;
	s3 =	sadd.s32 $0x186E00, s8;
	s5 =	sadd.s32 $0x400, s8  }
0xc: {  	s6 =	sadd.s32 $0x1EE00, s8;
	s14 =	sand.u32 $0x1, s4;
	s7 =	sadd.s32 $0x22200, s8  }
0xd: {  	s4 =	stileid.u32;
	s8 =	sadd.s32 $0x22000, s8;
	_ =	strace $0x80000047  }
0xe: {  	s15 =	ssub.s32 $0x2, s14;
	s17 =	sshll.u32 s4, $0x7;
	s14 =	sshll.u32 s14, $0x6  }
0xf: {  	s16 =	sshrl.u32 s15, $0x1;
	s14 =	sor.u32 s14, s17;
	s17 =	simm.s32 $0x800  }
0x10: {  	s15 =	ssub.s32 s15, s16;
	s9 =	sadd.s32 s9, s14;
	s10 =	sadd.s32 s10, s14  }
0x11: {  	v0 =	vlaneseq.u32;
	s11 =	sadd.s32 s11, s14;
	s12 =	sadd.s32 s12, s14;
	s13 =	sadd.s32 s13, s14  }
0x12: {  	v0 =	vmul.u32 $0x20, v0;
	s16 =	simm.s32 $0x200;
	s14 =	smax.u32 s15, $0x1;
	s15 =	simm.s32 $0x2  }
.LBB2_1:
0x13: {  	[tilespmem:s1], [sflag:$0x2] =	stream.linear.gather [hbm4b:s9+s1], $0x200, $0x38;
	[tilespmem:$0xA100] =	vst v63  }
0x14: {  	_ =	swait.ge [sflag:s15], $0x200  }
0x15: {  	[sflag:s15] =	ssyncset.done $0x0  }
0x16: {  	[sflag:s15] =	ssyncadd.s32 $0xFFFFFE00  }
0x17: {  	[tilespmem:s16], [sflag:$0x2] =	stream.linear.gather [hbm4b:s10+s1], $0x200, $0x38;
	[tilespmem:$0xA100] =	vst v63  }
0x18: {  	_ =	swait.ge [sflag:s15], $0x200  }
0x19: {  	[sflag:s15] =	ssyncset.done $0x0  }
0x1a: {  	s24 =	simm.s32 $0x400;
	[sflag:s15] =	ssyncadd.s32 $0xFFFFFE00  }
0x1b: {  	[tilespmem:s24], [sflag:$0x2] =	stream.linear.gather [hbm4b:s11+s1], $0x200, $0x38;
	[tilespmem:$0xA100] =	vst v63  }
0x1c: {  	_ =	swait.ge [sflag:s15], $0x200  }
0x1d: {  	[sflag:s15] =	ssyncset.done $0x0  }
0x1e: {  	s25 =	simm.s32 $0x600;
	[sflag:s15] =	ssyncadd.s32 $0xFFFFFE00  }
0x1f: {  	[tilespmem:s25], [sflag:$0x2] =	stream.linear.gather [hbm4b:s12+s1], $0x200, $0x38;
	[tilespmem:$0xA100] =	vst v63  }
0x20: {  	_ =	swait.ge [sflag:s15], $0x200  }
0x21: {  	[sflag:s15] =	ssyncset.done $0x0  }
0x22: {  	[sflag:s15] =	ssyncadd.s32 $0xFFFFFE00  }
0x23: {  	[tilespmem:s17], [sflag:$0x1] =	stream.indirect.gather [hbm4b:s2+s16], $0x20, s1, s16, $0xb8;
	[tilespmem:$0xA100] =	vst v63  }
0x24: {  	_ = 	snop  }
0x25: {  	[tilespmem:s18], [sflag:$0x1] =	stream.indirect.gather [hbm4b:s3+s16], $0x20, s16, s16, $0xb8;
	[tilespmem:$0xA100] =	vst v63  }
0x26: {  	s26 =	simm.s32 $0x8800  }
0x27: {  	[tilespmem:s26], [sflag:$0x1] =	stream.indirect.gather [hbm4b:s5+s16], $0x1, s1, s16, $0xb8;
	[tilespmem:$0xA100] =	vst v63  }
0x28: {  	s28 =	simm.s32 $0x8A00  }
0x29: {  	[tilespmem:s28], [sflag:$0x1] =	stream.indirect.gather [hbm4b:s6+s16], $0x1, s16, s16, $0xb8;
	[tilespmem:$0xA100] =	vst v63  }
0x2a: {  	_ = 	snop  }
0x2b: {  	[tilespmem:s19], [sflag:$0x1] =	stream.linear.gather [hbm4b:s7+s1], $0x400, $0x38;
	[tilespmem:$0xA100] =	vst v63  }
0x2c: {  	_ = 	snop  }
0x2d: {  	[tilespmem:s20], [sflag:$0x1] =	stream.linear.gather [hbm4b:s8+s1], $0xF00, $0x38;
	[tilespmem:$0xA100] =	vst v63  }
0x2e: {  	_ =	swait.ge [sflag:s21], $0x4000  }
0x2f: {  	[sflag:s21] =	ssyncset.done $0x0  }
0x30: {  	[sflag:s21] =	ssyncadd.s32 $0xFFFFC000  }
0x31: {  	_ =	swait.ge [sflag:s21], $0x4000  }
0x32: {  	[sflag:s21] =	ssyncset.done $0x0  }
0x33: {  	[sflag:s21] =	ssyncadd.s32 $0xFFFFC000  }
0x34: {  	_ =	swait.ge [sflag:s21], $0x200  }
0x35: {  	[sflag:s21] =	ssyncset.done $0x0  }
0x36: {  	[sflag:s21] =	ssyncadd.s32 $0xFFFFFE00  }
0x37: {  	_ =	swait.ge [sflag:s21], $0x200  }
0x38: {  	[sflag:s21] =	ssyncset.done $0x0  }
0x39: {  	[sflag:s21] =	ssyncadd.s32 $0xFFFFFE00  }
0x3a: {  	_ =	swait.ge [sflag:s21], $0x400  }
0x3b: {  	[sflag:s21] =	ssyncset.done $0x0  }
0x3c: {  	[sflag:s21] =	ssyncadd.s32 $0xFFFFFC00  }
0x3d: {  	_ =	swait.ge [sflag:s21], $0xF00  }
0x3e: {  	[sflag:s21] =	ssyncset.done $0x0  }
0x3f: {  	s29 =	simm.s32 $0x9F00;
	s30 =	simm.s32 $0x0;
	[sflag:s21] =	ssyncadd.s32 $0xFFFFF100  }
.LBB2_2:
0x40: {  	v2 =	vmov s30  }
0x41: {  	v2 =	vshll.u32 v2, $0x5  }
0x42: {  	v3 =	vor.u32 v0, v2;
	_ =	sdelay $0x1  }
0x43: {  	v1 =	vld [tilespmem:s24+$0x0];
	v49 =	vor.u32 $0x1, v3  }
0x44: {  	v4 =	vld [tilespmem:s25+$0x0]  }
0x45: {  	v12 =	vor.u32 $0x2, v3  }
0x46: {  	v5 =	vld.idx.msk [tilespmem:v3+s17+$0x0], $0xffff  }
0x47: {  	v22 =	vor.u32 $0x3, v3;
	v6 =	vld.idx.msk [tilespmem:v3+s18+$0x0], $0xffff  }
0x48: {  	v10 =	vld.idx.msk [tilespmem:v49+s17+$0x0], $0xffff  }
0x49: {  	v59 =	vor.u32 $0x4, v3;
	v2 =	vshll.u32 v1, $0x5;
	v1 =	vshll.u32 v4, $0x5;
	v4 =	vld.idx.msk [tilespmem:v49+s18+$0x0], $0xffff  }
0x4a: {  	v29 =	vor.u32 $0x5, v3;
	v20 =	vld.idx.msk [tilespmem:v12+s17+$0x0], $0xffff  }
0x4b: {  	v41 =	vor.u32 $0x6, v3;
	v12 =	vld.idx.msk [tilespmem:v12+s18+$0x0], $0xffff  }
0x4c: {  	v56 =	vld.idx.msk [tilespmem:v22+s17+$0x0], $0xffff  }
0x4d: {  	v58 =	vld.idx.msk [tilespmem:v22+s18+$0x0], $0xffff  }
0x4e: {  	v7 =	vor.u32 $0x1, v2;
	v27 =	vld.idx.msk [tilespmem:v59+s17+$0x0], $0xffff  }
0x4f: {  	v11 =	vor.u32 $0x1, v1;
	v39 =	vld.idx.msk [tilespmem:v29+s17+$0x0], $0xffff  }
0x50: {  	v16 =	vor.u32 $0x2, v2;
	v49 =	vld.idx.msk [tilespmem:v41+s17+$0x0], $0xffff;
	v13 =	vmul.f32 v5, v5;
	v14 =	vmul.f32 v6, v5  }
0x51: {  	v17 =	vor.u32 $0x2, v1;
	v8 =	vld.idx.msk [tilespmem:v2+s19+$0x0], $0xffff;
	v6 =	vmul.f32 v6, v6;
	v18 =	vmul.f32 v10, v10  }
0x52: {  	v54 =	vor.u32 $0x3, v1;
	v9 =	vld.idx.msk [tilespmem:v1+s20+$0x0], $0xffff;
	v19 =	vmul.f32 v4, v4;
	v4 =	vmul.f32 v4, v10  }
0x53: {  	v62 =	vor.u32 $0x4, v2;
	v7 =	vld.idx.msk [tilespmem:v7+s19+$0x0], $0xffff;
	v53 =	vmul.f32 v20, v20;
	v55 =	vmul.f32 v12, v12  }
0x54: {  	v28 =	vor.u32 $0x4, v1;
	v11 =	vld.idx.msk [tilespmem:v11+s20+$0x0], $0xffff;
	v12 =	vmul.f32 v12, v20;
	v25 =	vmul.f32 v56, v56  }
0x55: {  	v36 =	vor.u32 $0x5, v1;
	v50 =	vld.idx.msk [tilespmem:v16+s19+$0x0], $0xffff;
	v26 =	vmul.f32 v58, v58;
	v37 =	vmul.f32 v27, v27  }
0x56: {  	v52 =	vor.u32 $0x3, v2;
	v17 =	vld.idx.msk [tilespmem:v17+s20+$0x0], $0xffff;
	v46 =	vmul.f32 v39, v39;
	v15 =	vmul.f32 v8, v5  }
0x57: {  	v34 =	vor.u32 $0x5, v2;
	v63 =	vld.idx.msk [tilespmem:v54+s20+$0x0], $0xffff;
	v5 =	vmul.f32 v9, v5;
	v8 =	vmul.f32 v8, v8  }
0x58: {  	v45 =	vor.u32 $0x6, v2;
	v31 =	vld.idx.msk [tilespmem:v62+s19+$0x0], $0xffff;
	v9 =	vmul.f32 v9, v9;
	v21 =	vmul.f32 v7, v7  }
0x59: {  	v35 =	vld.idx.msk [tilespmem:v28+s20+$0x0], $0xffff;
	v14 =	vadd.f32 $0.0e+00, v14;
	v7 =	vmul.f32 v7, v10;
	v51 =	vmul.f32 v11, v11  }
0x5a: {  	v47 =	vor.u32 $0x6, v1;
	v16 =	vld.idx.msk [tilespmem:v36+s20+$0x0], $0xffff;
	v10 =	vmul.f32 v11, v10;
	v60 =	vmul.f32 v50, v50  }
0x5b: {  	v4 =	vadd.f32 v4, v14;
	v14 =	vmul.f32 v50, v20;
	v61 =	vmul.f32 v17, v17  }
0x5c: {  	v42 =	vld.idx.msk [tilespmem:v34+s19+$0x0], $0xffff;
	v28 =	vor.u32 $0x8, v2;
	v24 =	vmul.f32 v17, v20;
	v11 =	vmul.f32 v58, v56  }
0x5d: {  	v13 =	vadd.f32 v18, v13;
	v33 =	vmul.f32 v63, v63;
	v40 =	vmul.f32 v31, v31  }
0x5e: {  	v6 =	vadd.f32 v19, v6;
	v43 =	vmul.f32 v31, v27;
	v44 =	vmul.f32 v35, v35  }
0x5f: {  	v50 =	vld.idx.msk [tilespmem:v41+s18+$0x0], $0xffff;
	v54 =	vmul.f32 v16, v16;
	v58 =	vmul.f32 v49, v49;
	v41 =	vor.u32 $0x9, v1  }
0x60: {  	v17 =	vld.idx.msk [tilespmem:v45+s19+$0x0], $0xffff;
	v45 =	vor.u32 $0xA, v3;
	v15 =	vadd.f32 $0.0e+00, v15;
	v5 =	vadd.f32 $0.0e+00, v5  }
0x61: {  	v18 =	vld.idx.msk [tilespmem:v52+s19+$0x0], $0xffff;
	v57 =	vadd.f32 v53, v13;
	v6 =	vadd.f32 v55, v6;
	v53 =	vmul.f32 v42, v42  }
0x62: {  	v55 =	vor.u32 $0x7, v2;
	v8 =	vadd.f32 v21, v8;
	v9 =	vadd.f32 v51, v9  }
0x63: {  	v4 =	vadd.f32 v12, v4;
	v12 =	vmul.f32 v63, v56;
	v51 =	vor.u32 $0x7, v3  }
0x64: {  	v63 =	vor.u32 $0x8, v3;
	v7 =	vadd.f32 v7, v15;
	v5 =	vadd.f32 v10, v5  }
0x65: {  	v36 =	vld.idx.msk [tilespmem:v28+s19+$0x0], $0xffff;
	v10 =	vadd.f32 v25, v57;
	v6 =	vadd.f32 v26, v6;
	v57 =	vmul.f32 v16, v39  }
0x66: {  	v13 =	vld.idx.msk [tilespmem:v59+s18+$0x0], $0xffff;
	v8 =	vadd.f32 v60, v8;
	v9 =	vadd.f32 v61, v9;
	v30 =	vmul.f32 v18, v18  }
0x67: {  	v4 =	vadd.f32 v11, v4;
	v32 =	vmul.f32 v18, v56;
	v11 =	vmul.f32 v35, v27  }
0x68: {  	v61 =	vor.u32 $0x7, v1;
	v35 =	vor.u32 $0x9, v3;
	v7 =	vadd.f32 v14, v7  }
0x69: {  	v5 =	vadd.f32 v24, v5;
	v59 =	vmul.f32 v50, v50;
	v24 =	vmul.f32 v17, v17  }
0x6a: {  	v56 =	vld.idx.msk [tilespmem:v47+s20+$0x0], $0xffff;
	v10 =	vadd.f32 v37, v10;
	v26 =	vmul.f32 v17, v49;
	v47 =	vmul.f32 v36, v36  }
0x6b: {  	v8 =	vadd.f32 v30, v8;
	v9 =	vadd.f32 v33, v9;
	v38 =	vmul.f32 v13, v13  }
0x6c: {  	v14 =	vld.idx.msk [tilespmem:v29+s18+$0x0], $0xffff;
	v13 =	vmul.f32 v13, v27;
	v7 =	vadd.f32 v32, v7;
	v5 =	vadd.f32 v12, v5  }
0x6d: {  	v25 =	vld.idx.msk [tilespmem:v55+s19+$0x0], $0xffff;
	v30 =	vor.u32 $0x8, v1;
	v10 =	vadd.f32 v46, v10;
	v6 =	vadd.f32 v38, v6  }
0x6e: {  	v55 =	vor.u32 $0xA, v1;
	v60 =	vld.idx.msk [tilespmem:v51+s17+$0x0], $0xffff;
	v4 =	vadd.f32 v13, v4;
	v8 =	vadd.f32 v40, v8  }
0x6f: {  	v12 =	vmul.f32 v42, v39;
	v62 =	vld.idx.msk [tilespmem:v51+s18+$0x0], $0xffff;
	v9 =	vadd.f32 v44, v9;
	v7 =	vadd.f32 v43, v7  }
0x70: {  	v33 =	vld.idx.msk [tilespmem:v63+s17+$0x0], $0xffff;
	v5 =	vadd.f32 v11, v5;
	v11 =	vmul.f32 v50, v49;
	v10 =	vadd.f32 v58, v10  }
0x71: {  	v27 =	vmul.f32 v56, v56;
	v13 =	vmul.f32 v56, v49;
	v43 =	vld.idx.msk [tilespmem:v35+s17+$0x0], $0xffff;
	v49 =	vor.u32 $0xA, v2  }
0x72: {  	v44 =	vld.idx.msk [tilespmem:v35+s18+$0x0], $0xffff;
	v35 =	vor.u32 $0xC, v1;
	v48 =	vmul.f32 v14, v14;
	v52 =	vmul.f32 v14, v39  }
0x73: {  	v18 =	vld.idx.msk [tilespmem:v63+s18+$0x0], $0xffff;
	v8 =	vadd.f32 v53, v8;
	v9 =	vadd.f32 v54, v9;
	v39 =	vor.u32 $0x9, v2  }
0x74: {  	v7 =	vadd.f32 v12, v7;
	v5 =	vadd.f32 v57, v5;
	v34 =	vmul.f32 v25, v25  }
0x75: {  	v29 =	vld.idx.msk [tilespmem:v61+s20+$0x0], $0xffff;
	v57 =	vor.u32 $0xB, v3;
	v6 =	vadd.f32 v48, v6;
	v31 =	vmul.f32 v60, v60  }
0x76: {  	v4 =	vadd.f32 v52, v4;
	v32 =	vmul.f32 v62, v62;
	v12 =	vmul.f32 v62, v60  }
0x77: {  	v50 =	vld.idx.msk [tilespmem:v41+s20+$0x0], $0xffff;
	v8 =	vadd.f32 v24, v8;
	v37 =	vmul.f32 v25, v60;
	v40 =	vmul.f32 v33, v33  }
0x78: {  	v56 =	vld.idx.msk [tilespmem:v45+s18+$0x0], $0xffff;
	v9 =	vadd.f32 v27, v9;
	v42 =	vmul.f32 v18, v18;
	v46 =	vmul.f32 v18, v33  }
0x79: {  	v62 =	vor.u32 $0xB, v2;
	v24 =	vor.u32 $0xB, v1;
	v7 =	vadd.f32 v26, v7  }
0x7a: {  	v54 =	vld.idx.msk [tilespmem:v45+s17+$0x0], $0xffff;
	v5 =	vadd.f32 v13, v5;
	v6 =	vadd.f32 v59, v6;
	v38 =	vmul.f32 v29, v29  }
0x7b: {  	v4 =	vadd.f32 v11, v4;
	v11 =	vmul.f32 v29, v60;
	v52 =	vmul.f32 v43, v43  }
0x7c: {  	v15 =	vld.idx.msk [tilespmem:v30+s20+$0x0], $0xffff;
	v10 =	vadd.f32 v31, v10;
	v53 =	vmul.f32 v44, v44;
	v61 =	vmul.f32 v50, v50  }
0x7d: {  	v63 =	vld.idx.msk [tilespmem:v55+s20+$0x0], $0xffff;
	v8 =	vadd.f32 v34, v8;
	v13 =	vmul.f32 v50, v43;
	v26 =	vmul.f32 v56, v56  }
0x7e: {  	v59 =	vld.idx.msk [tilespmem:v49+s19+$0x0], $0xffff;
	v29 =	vor.u32 $0xC, v3;
	v49 =	vor.u32 $0xD, v1;
	v7 =	vadd.f32 v37, v7  }
0x7f: {  	v25 =	vmul.f32 v54, v54;
	v6 =	vadd.f32 v32, v6;
	v4 =	vadd.f32 v12, v4  }
0x80: {  	v16 =	vld.idx.msk [tilespmem:v39+s19+$0x0], $0xffff;
	v39 =	vor.u32 $0xD, v3;
	v9 =	vadd.f32 v38, v9;
	v5 =	vadd.f32 v11, v5  }
0x81: {  	v10 =	vadd.f32 v40, v10;
	v12 =	vmul.f32 v36, v33;
	v48 =	vmul.f32 v15, v15  }
0x82: {  	v8 =	vadd.f32 v47, v8;
	v51 =	vmul.f32 v15, v33;
	v11 =	vmul.f32 v44, v43  }
0x83: {  	v27 =	vld.idx.msk [tilespmem:v57+s17+$0x0], $0xffff;
	v32 =	vmul.f32 v63, v63;
	v6 =	vadd.f32 v42, v6;
	v4 =	vadd.f32 v46, v4  }
0x84: {  	v17 =	vld.idx.msk [tilespmem:v57+s18+$0x0], $0xffff;
	v33 =	vor.u32 $0xC, v2;
	v7 =	vadd.f32 v12, v7;
	v9 =	vadd.f32 v48, v9  }
0x85: {  	v44 =	vld.idx.msk [tilespmem:v35+s20+$0x0], $0xffff;
	v5 =	vadd.f32 v51, v5;
	v10 =	vadd.f32 v52, v10;
	v12 =	vmul.f32 v56, v54  }
0x86: {  	v51 =	vor.u32 $0xE, v3;
	v56 =	vor.u32 $0xE, v2;
	v28 =	vmul.f32 v59, v59;
	v37 =	vld.idx.msk [tilespmem:v29+s17+$0x0], $0xffff  }
0x87: {  	v31 =	vmul.f32 v59, v54;
	v38 =	vld.idx.msk [tilespmem:v29+s18+$0x0], $0xffff;
	v29 =	vor.u32 $0xF, v1;
	v6 =	vadd.f32 v53, v6  }
0x88: {  	v58 =	vmul.f32 v16, v16;
	v4 =	vadd.f32 v11, v4;
	v9 =	vadd.f32 v61, v9  }
0x89: {  	v30 =	vld.idx.msk [tilespmem:v62+s19+$0x0], $0xffff;
	v60 =	vmul.f32 v16, v43;
	v5 =	vadd.f32 v13, v5;
	v10 =	vadd.f32 v25, v10  }
0x8a: {  	v15 =	vld.idx.msk [tilespmem:v24+s20+$0x0], $0xffff;
	v11 =	vmul.f32 v63, v54;
	v43 =	vor.u32 $0xD, v2;
	v34 =	vmul.f32 v27, v27  }
0x8b: {  	v63 =	vor.u32 $0xF, v3;
	v36 =	vmul.f32 v17, v17;
	v40 =	vmul.f32 v17, v27  }
0x8c: {  	v55 =	vmul.f32 v44, v44;
	v8 =	vadd.f32 v58, v8;
	v7 =	vadd.f32 v60, v7  }
0x8d: {  	v16 =	vld.idx.msk [tilespmem:v33+s19+$0x0], $0xffff;
	v33 =	vor.u32 $0x10, v3;
	v6 =	vadd.f32 v26, v6;
	v4 =	vadd.f32 v12, v4  }
0x8e: {  	v57 =	vld.idx.msk [tilespmem:v49+s20+$0x0], $0xffff;
	v9 =	vadd.f32 v32, v9;
	v41 =	vmul.f32 v30, v30;
	v12 =	vmul.f32 v30, v27  }
0x8f: {  	v48 =	vld.idx.msk [tilespmem:v39+s17+$0x0], $0xffff;
	v5 =	vadd.f32 v11, v5;
	v42 =	vmul.f32 v15, v15;
	v45 =	vmul.f32 v15, v27  }
0x90: {  	v50 =	vld.idx.msk [tilespmem:v39+s18+$0x0], $0xffff;
	v58 =	vor.u32 $0xE, v1;
	v10 =	vadd.f32 v34, v10;
	v8 =	vadd.f32 v28, v8  }
0x91: {  	v27 =	vor.u32 $0xF, v2;
	v7 =	vadd.f32 v31, v7;
	v6 =	vadd.f32 v36, v6  }
0x92: {  	v4 =	vadd.f32 v40, v4;
	v9 =	vadd.f32 v42, v9;
	v46 =	vmul.f32 v37, v37  }
0x93: {  	v47 =	vmul.f32 v38, v38;
	v5 =	vadd.f32 v45, v5;
	v11 =	vmul.f32 v38, v37  }
0x94: {  	v13 =	vmul.f32 v44, v37;
	v26 =	vmul.f32 v57, v57;
	v45 =	vor.u32 $0x11, v3;
	v53 =	vld.idx.msk [tilespmem:v43+s19+$0x0], $0xffff  }
0x95: {  	v59 =	vmul.f32 v48, v48;
	v60 =	vmul.f32 v50, v50;
	v31 =	vld.idx.msk [tilespmem:v63+s17+$0x0], $0xffff;
	v43 =	vor.u32 $0x10, v1  }
0x96: {  	v32 =	vld.idx.msk [tilespmem:v63+s18+$0x0], $0xffff;
	v63 =	vor.u32 $0x12, v1;
	v8 =	vadd.f32 v41, v8;
	v7 =	vadd.f32 v12, v7  }
0x97: {  	v61 =	vld.idx.msk [tilespmem:v51+s17+$0x0], $0xffff;
	v10 =	vadd.f32 v46, v10;
	v6 =	vadd.f32 v47, v6;
	v52 =	vmul.f32 v16, v16  }
0x98: {  	v18 =	vld.idx.msk [tilespmem:v51+s18+$0x0], $0xffff;
	v4 =	vadd.f32 v11, v4;
	v54 =	vmul.f32 v16, v37;
	v9 =	vadd.f32 v55, v9  }
0x99: {  	v24 =	vld.idx.msk [tilespmem:v56+s19+$0x0], $0xffff;
	v5 =	vadd.f32 v13, v5;
	v12 =	vmul.f32 v50, v48;
	v11 =	vmul.f32 v57, v48  }
0x9a: {  	v38 =	vld.idx.msk [tilespmem:v29+s20+$0x0], $0xffff;
	v37 =	vor.u32 $0x10, v2;
	v50 =	vor.u32 $0x11, v2;
	v8 =	vadd.f32 v52, v8  }
0x9b: {  	v57 =	vor.u32 $0x12, v3;
	v7 =	vadd.f32 v54, v7;
	v10 =	vadd.f32 v59, v10  }
0x9c: {  	v6 =	vadd.f32 v60, v6;
	v4 =	vadd.f32 v12, v4;
	v28 =	vmul.f32 v61, v61  }
0x9d: {  	v9 =	vadd.f32 v26, v9;
	v30 =	vmul.f32 v18, v18;
	v34 =	vmul.f32 v18, v61  }
0x9e: {  	v42 =	vld.idx.msk [tilespmem:v33+s17+$0x0], $0xffff;
	v5 =	vadd.f32 v11, v5;
	v35 =	vmul.f32 v24, v24;
	v12 =	vmul.f32 v24, v61  }
0x9f: {  	v44 =	vld.idx.msk [tilespmem:v33+s18+$0x0], $0xffff;
	v52 =	vor.u32 $0x11, v1;
	v26 =	vor.u32 $0x13, v3;
	v49 =	vmul.f32 v38, v38  }
0xa0: {  	v15 =	vld.idx.msk [tilespmem:v58+s20+$0x0], $0xffff;
	v62 =	vmul.f32 v53, v53;
	v25 =	vmul.f32 v53, v48;
	v10 =	vadd.f32 v28, v10  }
0xa1: {  	v16 =	vld.idx.msk [tilespmem:v27+s19+$0x0], $0xffff;
	v6 =	vadd.f32 v30, v6;
	v40 =	vmul.f32 v31, v31;
	v41 =	vmul.f32 v32, v32  }
0xa2: {  	v4 =	vadd.f32 v34, v4;
	v11 =	vmul.f32 v32, v31;
	v13 =	vmul.f32 v38, v31  }
0xa3: {  	v51 =	vld.idx.msk [tilespmem:v43+s20+$0x0], $0xffff;
	v30 =	vor.u32 $0x13, v2;
	v38 =	vor.u32 $0x14, v3;
	v43 =	vor.u32 $0x14, v2  }
0xa4: {  	v53 =	vmul.f32 v42, v42;
	v54 =	vmul.f32 v44, v44;
	v8 =	vadd.f32 v62, v8  }
0xa5: {  	v55 =	vld.idx.msk [tilespmem:v45+s17+$0x0], $0xffff;
	v7 =	vadd.f32 v25, v7;
	v36 =	vmul.f32 v15, v15;
	v39 =	vmul.f32 v15, v61  }
0xa6: {  	v17 =	vld.idx.msk [tilespmem:v45+s18+$0x0], $0xffff;
	v10 =	vadd.f32 v40, v10;
	v6 =	vadd.f32 v41, v6;
	v46 =	vmul.f32 v16, v16  }
0xa7: {  	v32 =	vld.idx.msk [tilespmem:v63+s20+$0x0], $0xffff;
	v4 =	vadd.f32 v11, v4;
	v48 =	vmul.f32 v16, v31;
	v61 =	vor.u32 $0x12, v2  }
0xa8: {  	v15 =	vld.idx.msk [tilespmem:v52+s20+$0x0], $0xffff;
	v52 =	vor.u32 $0x15, v2;
	v8 =	vadd.f32 v35, v8;
	v7 =	vadd.f32 v12, v7  }
0xa9: {  	v47 =	vld.idx.msk [tilespmem:v37+s19+$0x0], $0xffff;
	v9 =	vadd.f32 v36, v9;
	v5 =	vadd.f32 v39, v5;
	v12 =	vmul.f32 v44, v42  }
0xaa: {  	v58 =	vld.idx.msk [tilespmem:v50+s19+$0x0], $0xffff;
	v10 =	vadd.f32 v53, v10;
	v6 =	vadd.f32 v54, v6;
	v62 =	vmul.f32 v55, v55  }
0xab: {  	v24 =	vld.idx.msk [tilespmem:v57+s17+$0x0], $0xffff;
	v23 =	vmul.f32 v17, v17;
	v27 =	vmul.f32 v17, v55;
	v36 =	vor.u32 $0x13, v1  }
0xac: {  	v60 =	vmul.f32 v51, v51;
	v11 =	vmul.f32 v51, v42;
	v8 =	vadd.f32 v46, v8  }
0xad: {  	v25 =	vld.idx.msk [tilespmem:v57+s18+$0x0], $0xffff;
	v41 =	vmul.f32 v32, v32;
	v7 =	vadd.f32 v48, v7;
	v9 =	vadd.f32 v49, v9  }
0xae: {  	v5 =	vadd.f32 v13, v5;
	v56 =	vmul.f32 v47, v47;
	v4 =	vadd.f32 v12, v4  }
0xaf: {  	v59 =	vmul.f32 v47, v42;
	v10 =	vadd.f32 v62, v10;
	v28 =	vmul.f32 v58, v58  }
0xb0: {  	v6 =	vadd.f32 v23, v6;
	v12 =	vmul.f32 v58, v55;
	v33 =	vmul.f32 v24, v24  }
0xb1: {  	v37 =	vld.idx.msk [tilespmem:v26+s18+$0x0], $0xffff;
	v14 =	vmul.f32 v32, v24;
	v47 =	vor.u32 $0x14, v1;
	v49 =	vor.u32 $0x15, v3  }
0xb2: {  	v35 =	vld.idx.msk [tilespmem:v26+s17+$0x0], $0xffff;
	v23 =	vor.u32 $0x16, v1;
	v34 =	vmul.f32 v25, v25;
	v8 =	vadd.f32 v56, v8  }
0xb3: {  	v16 =	vld.idx.msk [tilespmem:v61+s19+$0x0], $0xffff;
	v61 =	vor.u32 $0x16, v2;
	v7 =	vadd.f32 v59, v7;
	v9 =	vadd.f32 v60, v9  }
0xb4: {  	v40 =	vld.idx.msk [tilespmem:v30+s19+$0x0], $0xffff;
	v5 =	vadd.f32 v11, v5;
	v29 =	vmul.f32 v15, v15;
	v4 =	vadd.f32 v27, v4  }
0xb5: {  	v18 =	vld.idx.msk [tilespmem:v38+s18+$0x0], $0xffff;
	v31 =	vmul.f32 v15, v55;
	v10 =	vadd.f32 v33, v10;
	v11 =	vmul.f32 v25, v24  }
0xb6: {  	v45 =	vmul.f32 v37, v37;
	v55 =	vor.u32 $0x15, v1;
	v59 =	vor.u32 $0x16, v3  }
0xb7: {  	v46 =	vld.idx.msk [tilespmem:v38+s17+$0x0], $0xffff;
	v6 =	vadd.f32 v34, v6;
	v44 =	vmul.f32 v35, v35;
	v8 =	vadd.f32 v28, v8  }
0xb8: {  	v13 =	vld.idx.msk [tilespmem:v43+s19+$0x0], $0xffff;
	v34 =	vor.u32 $0x17, v1;
	v7 =	vadd.f32 v12, v7;
	v9 =	vadd.f32 v29, v9  }
0xb9: {  	v5 =	vadd.f32 v31, v5;
	v12 =	vmul.f32 v37, v35;
	v48 =	vmul.f32 v40, v40  }
0xba: {  	v4 =	vadd.f32 v11, v4;
	v50 =	vmul.f32 v40, v35;
	v56 =	vmul.f32 v18, v18  }
0xbb: {  	v28 =	vor.u32 $0x17, v3;
	v31 =	vor.u32 $0x17, v2;
	v37 =	vor.u32 $0x18, v3  }
0xbc: {  	v10 =	vadd.f32 v44, v10;
	v54 =	vmul.f32 v46, v46;
	v18 =	vmul.f32 v18, v46  }
0xbd: {  	v42 =	vld.idx.msk [tilespmem:v36+s20+$0x0], $0xffff;
	v6 =	vadd.f32 v45, v6;
	v60 =	vmul.f32 v13, v13;
	v13 =	vmul.f32 v13, v46  }
0xbe: {  	v53 =	vld.idx.msk [tilespmem:v47+s20+$0x0], $0xffff;
	v47 =	vor.u32 $0x18, v1;
	v39 =	vmul.f32 v16, v16;
	v9 =	vadd.f32 v41, v9  }
0xbf: {  	v57 =	vld.idx.msk [tilespmem:v49+s17+$0x0], $0xffff;
	v16 =	vmul.f32 v16, v24;
	v5 =	vadd.f32 v14, v5;
	v4 =	vadd.f32 v12, v4  }
0xc0: {  	v58 =	vld.idx.msk [tilespmem:v49+s18+$0x0], $0xffff;
	v49 =	vor.u32 $0x19, v3;
	v10 =	vadd.f32 v54, v10;
	v6 =	vadd.f32 v56, v6  }
0xc1: {  	v19 =	vld.idx.msk [tilespmem:v23+s20+$0x0], $0xffff;
	v56 =	vor.u32 $0x19, v2;
	v8 =	vadd.f32 v39, v8;
	v7 =	vadd.f32 v16, v7  }
0xc2: {  	v14 =	vld.idx.msk [tilespmem:v52+s19+$0x0], $0xffff;
	v51 =	vmul.f32 v42, v42;
	v11 =	vmul.f32 v42, v35;
	v4 =	vadd.f32 v18, v4  }
0xc3: {  	v42 =	vor.u32 $0x18, v2;
	v43 =	vld.idx.msk [tilespmem:v34+s20+$0x0], $0xffff;
	v34 =	vor.u32 $0x1B, v1;
	v8 =	vadd.f32 v48, v8  }
0xc4: {  	v63 =	vld.idx.msk [tilespmem:v55+s20+$0x0], $0xffff;
	v7 =	vadd.f32 v50, v7;
	v62 =	vmul.f32 v53, v53;
	v15 =	vmul.f32 v53, v46  }
0xc5: {  	v26 =	vld.idx.msk [tilespmem:v59+s17+$0x0], $0xffff;
	v9 =	vadd.f32 v51, v9;
	v24 =	vmul.f32 v57, v57;
	v25 =	vmul.f32 v58, v58  }
0xc6: {  	v27 =	vld.idx.msk [tilespmem:v59+s18+$0x0], $0xffff;
	v5 =	vadd.f32 v11, v5;
	v11 =	vmul.f32 v58, v57;
	v41 =	vmul.f32 v19, v19  }
0xc7: {  	v54 =	vld.idx.msk [tilespmem:v47+s20+$0x0], $0xffff;
	v58 =	vor.u32 $0x19, v1;
	v47 =	vor.u32 $0x1D, v2;
	v8 =	vadd.f32 v60, v8  }
0xc8: {  	v18 =	vld.idx.msk [tilespmem:v61+s19+$0x0], $0xffff;
	v29 =	vmul.f32 v14, v14;
	v7 =	vadd.f32 v13, v7;
	v9 =	vadd.f32 v62, v9  }
0xc9: {  	v14 =	vmul.f32 v14, v57;
	v5 =	vadd.f32 v15, v5;
	v10 =	vadd.f32 v24, v10  }
0xca: {  	v36 =	vld.idx.msk [tilespmem:v28+s17+$0x0], $0xffff;
	v6 =	vadd.f32 v25, v6;
	v30 =	vmul.f32 v63, v63;
	v32 =	vmul.f32 v63, v57  }
0xcb: {  	v17 =	vld.idx.msk [tilespmem:v28+s18+$0x0], $0xffff;
	v4 =	vadd.f32 v11, v4;
	v33 =	vmul.f32 v26, v26;
	v35 =	vmul.f32 v27, v27  }
0xcc: {  	v21 =	vld.idx.msk [tilespmem:v31+s19+$0x0], $0xffff;
	v38 =	vmul.f32 v27, v26;
	v44 =	vmul.f32 v19, v26;
	v62 =	vor.u32 $0x1A, v3  }
0xcd: {  	v24 =	vor.u32 $0x1A, v2;
	v39 =	vmul.f32 v18, v18;
	v40 =	vmul.f32 v18, v26  }
0xce: {  	v46 =	vld.idx.msk [tilespmem:v37+s17+$0x0], $0xffff;
	v53 =	vmul.f32 v43, v43;
	v8 =	vadd.f32 v29, v8;
	v7 =	vadd.f32 v14, v7  }
0xcf: {  	v51 =	vld.idx.msk [tilespmem:v37+s18+$0x0], $0xffff;
	v26 =	vor.u32 $0x1A, v1;
	v9 =	vadd.f32 v30, v9;
	v5 =	vadd.f32 v32, v5  }
0xd0: {  	v10 =	vadd.f32 v33, v10;
	v45 =	vmul.f32 v36, v36;
	v48 =	vmul.f32 v17, v17  }
0xd1: {  	v6 =	vadd.f32 v35, v6;
	v17 =	vmul.f32 v17, v36;
	v50 =	vmul.f32 v21, v21  }
0xd2: {  	v4 =	vadd.f32 v38, v4;
	v52 =	vmul.f32 v21, v36;
	v12 =	vmul.f32 v43, v36  }
0xd3: {  	v57 =	vld.idx.msk [tilespmem:v49+s17+$0x0], $0xffff;
	v29 =	vor.u32 $0x1B, v3;
	v32 =	vor.u32 $0x1B, v2;
	v36 =	vor.u32 $0x1C, v2  }
0xd4: {  	v60 =	vld.idx.msk [tilespmem:v49+s18+$0x0], $0xffff;
	v38 =	vor.u32 $0x1C, v1;
	v55 =	vmul.f32 v46, v46;
	v59 =	vmul.f32 v51, v51  }
0xd5: {  	v14 =	vmul.f32 v51, v46;
	v25 =	vmul.f32 v54, v54;
	v8 =	vadd.f32 v39, v8  }
0xd6: {  	v11 =	vld.idx.msk [tilespmem:v42+s19+$0x0], $0xffff;
	v15 =	vmul.f32 v54, v46;
	v7 =	vadd.f32 v40, v7;
	v9 =	vadd.f32 v41, v9  }
0xd7: {  	v54 =	vor.u32 $0x1E, v1;
	v5 =	vadd.f32 v44, v5;
	v10 =	vadd.f32 v45, v10  }
0xd8: {  	v63 =	vld.idx.msk [tilespmem:v56+s19+$0x0], $0xffff;
	v6 =	vadd.f32 v48, v6;
	v4 =	vadd.f32 v17, v4;
	v41 =	vor.u32 $0x1E, v3  }
0xd9: {  	v45 =	vor.u32 $0x1F, v3;
	v27 =	vmul.f32 v57, v57;
	v28 =	vmul.f32 v60, v60  }
0xda: {  	v21 =	vld.idx.msk [tilespmem:v34+s20+$0x0], $0xffff;
	v19 =	vmul.f32 v60, v57;
	v8 =	vadd.f32 v50, v8;
	v7 =	vadd.f32 v52, v7  }
0xdb: {  	v13 =	vld.idx.msk [tilespmem:v58+s20+$0x0], $0xffff;
	v9 =	vadd.f32 v53, v9;
	v5 =	vadd.f32 v12, v5;
	v61 =	vmul.f32 v11, v11  }
0xdc: {  	v30 =	vld.idx.msk [tilespmem:v62+s17+$0x0], $0xffff;
	v10 =	vadd.f32 v55, v10;
	v11 =	vmul.f32 v11, v46;
	v6 =	vadd.f32 v59, v6  }
0xdd: {  	v31 =	vld.idx.msk [tilespmem:v62+s18+$0x0], $0xffff;
	v33 =	vmul.f32 v63, v63;
	v4 =	vadd.f32 v14, v4;
	v8 =	vadd.f32 v61, v8  }
0xde: {  	v14 =	vld.idx.msk [tilespmem:v24+s19+$0x0], $0xffff;
	v24 =	vor.u32 $0x1C, v3;
	v7 =	vadd.f32 v11, v7;
	v9 =	vadd.f32 v25, v9  }
0xdf: {  	v16 =	vld.idx.msk [tilespmem:v26+s20+$0x0], $0xffff;
	v49 =	vmul.f32 v21, v21;
	v5 =	vadd.f32 v15, v5;
	v10 =	vadd.f32 v27, v10  }
0xe0: {  	v35 =	vld.idx.msk [tilespmem:v29+s18+$0x0], $0xffff;
	v6 =	vadd.f32 v28, v6;
	v11 =	vmul.f32 v63, v57;
	v23 =	vmul.f32 v13, v13  }
0xe1: {  	v18 =	vld.idx.msk [tilespmem:v32+s19+$0x0], $0xffff;
	v4 =	vadd.f32 v19, v4;
	v12 =	vmul.f32 v13, v57;
	v25 =	vor.u32 $0x1D, v3  }
0xe2: {  	v19 =	vld.idx.msk [tilespmem:v29+s17+$0x0], $0xffff;
	v28 =	vor.u32 $0x1D, v1;
	v29 =	vor.u32 $0x1E, v2;
	v2 =	vor.u32 $0x1F, v2  }
0xe3: {  	v20 =	vld.idx.msk [tilespmem:v36+s19+$0x0], $0xffff;
	v1 =	vor.u32 $0x1F, v1;
	v8 =	vadd.f32 v33, v8;
	v7 =	vadd.f32 v11, v7  }
0xe4: {  	v22 =	vld.idx.msk [tilespmem:v38+s20+$0x0], $0xffff;
	v9 =	vadd.f32 v23, v9;
	v37 =	vmul.f32 v30, v30;
	v17 =	vmul.f32 v31, v30  }
0xe5: {  	v39 =	vmul.f32 v31, v31;
	v5 =	vadd.f32 v12, v5;
	v40 =	vmul.f32 v14, v14;
	v13 =	vld.idx.msk [tilespmem:v24+s17+$0x0], $0xffff  }
0xe6: {  	v42 =	vmul.f32 v14, v30;
	v43 =	vmul.f32 v16, v16;
	v4 =	vadd.f32 v17, v4;
	v17 =	vld.idx.msk [tilespmem:v24+s18+$0x0], $0xffff  }
0xe7: {  	v15 =	vmul.f32 v16, v30;
	v10 =	vadd.f32 v37, v10;
	v46 =	vmul.f32 v35, v35;
	v12 =	vld.idx.msk [tilespmem:v25+s17+$0x0], $0xffff  }
0xe8: {  	v6 =	vadd.f32 v39, v6;
	v48 =	vmul.f32 v18, v18;
	v44 =	vmul.f32 v19, v19;
	v14 =	vld.idx.msk [tilespmem:v25+s18+$0x0], $0xffff  }
0xe9: {  	v52 =	vmul.f32 v20, v20;
	v31 =	vmul.f32 v22, v22;
	v3 =	vadd.f32 v43, v9;
	v25 =	vld.idx.msk [tilespmem:v41+s17+$0x0], $0xffff  }
0xea: {  	v23 =	vld.idx.msk [tilespmem:v41+s18+$0x0], $0xffff;
	v8 =	vadd.f32 v40, v8;
	v10 =	vadd.f32 v44, v10;
	v26 =	vmul.f32 v13, v13  }
0xeb: {  	v11 =	vmul.f32 v35, v19;
	v6 =	vadd.f32 v46, v6;
	v50 =	vadd.f32 v49, v3;
	v3 =	vld.idx.msk [tilespmem:v45+s17+$0x0], $0xffff  }
0xec: {  	v16 =	vld.idx.msk [tilespmem:v54+s20+$0x0], $0xffff;
	v27 =	vmul.f32 v17, v17;
	v10 =	vadd.f32 v26, v10;
	v51 =	vmul.f32 v12, v12  }
0xed: {  	v24 =	vld.idx.msk [tilespmem:v45+s18+$0x0], $0xffff;
	v5 =	vadd.f32 v15, v5;
	v18 =	vmul.f32 v18, v19;
	v53 =	vmul.f32 v14, v14  }
0xee: {  	v15 =	vld.idx.msk [tilespmem:v47+s19+$0x0], $0xffff;
	v30 =	vmul.f32 v25, v25;
	v6 =	vadd.f32 v27, v6;
	v10 =	vadd.f32 v51, v10  }
0xef: {  	v7 =	vadd.f32 v42, v7;
	v28 =	vld.idx.msk [tilespmem:v28+s20+$0x0], $0xffff;
	v19 =	vmul.f32 v21, v19;
	v55 =	vmul.f32 v23, v23  }
0xf0: {  	v29 =	vld.idx.msk [tilespmem:v29+s19+$0x0], $0xffff;
	v56 =	vmul.f32 v3, v3;
	v6 =	vadd.f32 v53, v6;
	v10 =	vadd.f32 v30, v10  }
0xf1: {  	v8 =	vadd.f32 v48, v8;
	v4 =	vadd.f32 v11, v4;
	v63 =	vmul.f32 v16, v16  }
0xf2: {  	v57 =	vmul.f32 v24, v24;
	v6 =	vadd.f32 v55, v6;
	v10 =	vadd.f32 v56, v10  }
0xf3: {  	v2 =	vld.idx.msk [tilespmem:v2+s19+$0x0], $0xffff;
	v8 =	vadd.f32 v52, v8;
	v9 =	vadd.f32 v31, v50;
	v58 =	vmul.f32 v15, v15  }
0xf4: {  	v59 =	vmul.f32 v28, v28;
	v6 =	vadd.f32 v57, v6;
	v10 =	vmax.f32 v10, $1.000000020e-16  }
0xf5: {  	v1 =	vld.idx.msk [tilespmem:v1+s20+$0x0], $0xffff;
	v62 =	vmul.f32 v29, v29;
	v60 =	vshra.s32 v10, $0x1;
	v10 =	vmul.f32 $5.000000000e-01, v10  }
0xf6: {  	v8 =	vadd.f32 v58, v8;
	v6 =	vmax.f32 v6, $1.000000020e-16;
	v27 =	vsub.s32 $0x5F3759DF, v60  }
0xf7: {  	v61 =	vshra.s32 v6, $0x1;
	v6 =	vmul.f32 $5.000000000e-01, v6;
	v32 =	vmul.f32 v27, v10  }
0xf8: {  	v36 =	vmul.f32 v2, v2;
	v9 =	vadd.f32 v59, v9;
	v30 =	vsub.s32 $0x5F3759DF, v61  }
0xf9: {  	v8 =	vadd.f32 v62, v8;
	v33 =	vmul.f32 v30, v6;
	v32 =	vmul.f32 v27, v32  }
0xfa: {  	v20 =	vmul.f32 v20, v13;
	v38 =	vmul.f32 v1, v1;
	v9 =	vadd.f32 v63, v9  }
0xfb: {  	v8 =	vadd.f32 v36, v8;
	v37 =	vmul.f32 v30, v33;
	v39 =	vsub.f32 $1.500000000e+00, v32  }
0xfc: {  	v17 =	vmul.f32 v17, v13;
	v13 =	vmul.f32 v22, v13;
	v9 =	vadd.f32 v38, v9  }
0xfd: {  	v8 =	vmax.f32 v8, $1.000000020e-16;
	v11 =	vsub.f32 $1.500000000e+00, v37;
	v40 =	vmul.f32 v27, v39  }
0xfe: {  	v9 =	vmax.f32 v9, $1.000000020e-16;
	v41 =	vshra.s32 v8, $0x1;
	v8 =	vmul.f32 $5.000000000e-01, v8  }
0xff: {  	v26 =	vsub.s32 $0x5F3759DF, v41;
	v11 =	vmul.f32 v30, v11;
	v27 =	vmul.f32 v40, v10  }
0x100: {  	v43 =	vshra.s32 v9, $0x1;
	v9 =	vmul.f32 $5.000000000e-01, v9;
	v42 =	vmul.f32 v26, v8  }
0x101: {  	v32 =	vsub.s32 $0x5F3759DF, v43;
	v30 =	vmul.f32 v11, v6;
	v27 =	vmul.f32 v27, v40  }
0x102: {  	v31 =	vmul.f32 v26, v42;
	v44 =	vmul.f32 v32, v9  }
0x103: {  	v14 =	vmul.f32 v14, v12;
	v30 =	vmul.f32 v30, v11;
	v27 =	vsub.f32 $1.500000000e+00, v27  }
0x104: {  	v50 =	vmul.f32 v23, v25;
	v46 =	vsub.f32 $1.500000000e+00, v31;
	v48 =	vmul.f32 v32, v44  }
0x105: {  	v15 =	vmul.f32 v15, v12;
	v45 =	vsub.f32 $1.500000000e+00, v30;
	v47 =	vmul.f32 v27, v40  }
0x106: {  	v4 =	vadd.f32 v17, v4;
	v49 =	vmul.f32 v26, v46;
	v21 =	vsub.f32 $1.500000000e+00, v48  }
0x107: {  	v7 =	vadd.f32 v18, v7;
	v11 =	vmul.f32 v45, v11;
	v10 =	vmul.f32 v47, v10  }
0x108: {  	v4 =	vadd.f32 v14, v4;
	v52 =	vmul.f32 v49, v8;
	v51 =	vmul.f32 v32, v21  }
0x109: {  	v5 =	vadd.f32 v19, v5;
	v6 =	vmul.f32 v11, v6;
	v10 =	vmul.f32 v10, v47  }
0x10a: {  	v53 =	vmul.f32 v24, v3;
	v4 =	vadd.f32 v50, v4;
	v19 =	vmul.f32 v52, v49  }
0x10b: {  	v21 =	vmul.f32 v51, v9;
	v6 =	vmul.f32 v6, v11;
	v10 =	vsub.f32 $1.500000000e+00, v10  }
0x10c: {  	v12 =	vmul.f32 v28, v12;
	v4 =	vadd.f32 v53, v4;
	v19 =	vsub.f32 $1.500000000e+00, v19  }
0x10d: {  	v54 =	vmul.f32 v21, v51;
	v6 =	vsub.f32 $1.500000000e+00, v6;
	v10 =	vmul.f32 v10, v47  }
0x10e: {  	v7 =	vadd.f32 v20, v7;
	v58 =	vmul.f32 v16, v25;
	v55 =	vmul.f32 v19, v49  }
0x10f: {  	v57 =	vsub.f32 $1.500000000e+00, v54;
	v6 =	vmul.f32 v6, v11;
	v4 =	vmul.f32 v10, v4  }
0x110: {  	v5 =	vadd.f32 v13, v5;
	v56 =	vmul.f32 v29, v25;
	v8 =	vmul.f32 v55, v8  }
0x111: {  	v7 =	vadd.f32 v15, v7;
	v59 =	vmul.f32 v57, v51;
	v4 =	vmul.f32 v6, v4  }
0x112: {  	v2 =	vmul.f32 v2, v3;
	v5 =	vadd.f32 v12, v5;
	v60 =	vld [tilespmem:s26+$0x0];
	v8 =	vmul.f32 v8, v55  }
0x113: {  	v7 =	vadd.f32 v56, v7;
	v9 =	vmul.f32 v59, v9;
	v4 =	vmul.f32 $2.500000000e+00, v4  }
0x114: {  	v1 =	vmul.f32 v1, v3;
	v5 =	vadd.f32 v58, v5;
	v61 =	vld [tilespmem:s28+$0x0];
	v3 =	vsub.f32 $1.500000000e+00, v8  }
0x115: {  	v2 =	vadd.f32 v2, v7;
	v62 =	vmul.f32 v9, v59;
	v4 =	vadd.f32 $2.750000000e+00, v4  }
0x116: {  	v1 =	vadd.f32 v1, v5;
	v3 =	vmul.f32 v3, v55  }
0x117: {  	v2 =	vmul.f32 v10, v2;
	v63 =	vsub.f32 $1.500000000e+00, v62;
	v4 =	vadd.f32 v4, v60  }
0x118: {  	v1 =	vmul.f32 v10, v1  }
0x119: {  	v2 =	vmul.f32 v3, v2;
	v3 =	vmul.f32 v63, v59;
	v4 =	vadd.f32 v4, v61  }
0x11a: {  	p0 =	sne.s32 s30, $0x1F0  }
.Ltmp0:
0x11b: {  	v1 =	vmul.f32 v3, v1;
	v2 =	vadd.f32 v4, v2;
	(pc) =	sbr.rel @p0 .LBB2_2-.Ltmp0, $4  }
0x11c: {  	_ = 	snop  }
0x11d: {  	v1 =	vadd.f32 v2, v1  }
0x11e: {  	s24 =	sadd.s32 $0x10, s24;
	s25 =	sadd.s32 $0x10, s25;
	s30 =	sadd.s32 $0x10, s30  }
0x11f: {  	s26 =	sadd.s32 $0x10, s26;
	s28 =	sadd.s32 $0x10, s28;
	[tilespmem:s29+$0x0] =	vst v1;
	s29 =	sadd.s32 $0x10, s29  }
0x120: {  	s23 =	sadd.s32 $0x1, s23  }
0x121: {  	p0 =	sne.s32 s23, s14  }
.Ltmp1:
0x122: {  	_ = 	snop;
	(pc) =	sbr.rel @p0 .LBB2_1-.Ltmp1, $4  }
0x123: {  	[hbm4b:s13+s1] =	stream.linear.scatter [tilespmem:s22], [sflag:$0x2], $0x200, $0x38;
	[tilespmem:$0xA100] =	vst v63  }
0x124: {  	_ =	swait.ge [sflag:s15], $0x200  }
0x125: {  	[sflag:s15] =	ssyncset.done $0x0  }
0x126: {  	[sflag:s15] =	ssyncadd.s32 $0xFFFFFE00  }
0x127: {  	_ =	sfence.sel $0x180000  }
0x128: {  	[bflag:$0x0] =	sbarrier.arrive $0xFFFF  }
0x129: {  	p0 =	sne.s32 s4, $0x0;
	_ =	strace $0x90000047  }
0x12a: {  	s0 =	sadd.s32 @!p0 $0x100000, s0;
	[bflag:$0x2] =	sbarrier.arrive $0xFFFF  }
0x12b: {  	[sflag:s0] =	ssyncadd.tile.s32 @!p0 $0x1;
	_ =	shalt  }
.Lfunc_end2:
_tile_overlayer_lowered:
.L_overlay_start_2:
0x12c: {  	(tag) =	ssettag $0x2  }
0x12d: {  	s0 =	rddreg [dreg:$0x0];
	s2 =	stileid.u32  }
0x12e: {  	s1 =	rddreg [dreg:$0x1];
	p0 =	sne.s32 s2, $0x0  }
0x12f: {  	s3 =	rddreg [dreg:$0x2];
	[bflag:$0x3] =	sbarrier.arrive $0xFFFF;
	s2 =	simm.s32 @!p0 $0x1C02  }
0x130: {  	[timem:s3], [sflag:s2] =	dma.local @!p0 [hbm:s0], s1  }
0x131: {  	s0 =	simm.s32 @!p0 $0x2  }
0x132: {  	_ =	swait.ge @!p0 [sflag:s0], s1  }
0x133: {  	s1 =	ssub.s32 @!p0 $0x0, s1;
	[sflag:s0] =	ssyncset.done @!p0 $0x0  }
0x134: {  	[sflag:s0] =	ssyncadd.s32 @!p0 s1  }
0x135: {  	[bflag:$0x3] =	sbarrier.arrive $0xFFFF  }
0x136: {  	_ =	shalt  }

</sc_bundles>
